<compile_context>
chip_gen: v7x
topology: tpu7x:2x2x1
jax: 0.10.2.dev20260603
libtpu: 0.0.44.dev20260713+nightly
codegen_flags: <defaults>
</compile_context>

<pallas_src>
import functools

import jax
import jax.numpy as jnp
from jax import lax
from jax.experimental import pallas as pl
from jax.experimental.pallas import tpu as pltpu
from jax.experimental.pallas import tpu_sc as plsc

_PAD = 39972

_NC = 2
_NS = 16
_NW = _NC * _NS

_CH = 128
_ROW_BLK = 1024


def _proj_body(tab_ref, w_ref, b_ref, out_ref):
    i = pl.program_id(0)
    row = i * _ROW_BLK + lax.broadcasted_iota(jnp.int32, (_ROW_BLK, 1), 0)
    t = jnp.where(row != _PAD, tab_ref[...], 0.0)
    y = jnp.dot(t, w_ref[...], preferred_element_type=jnp.float32)
    out_ref[...] = jnp.maximum(y + b_ref[...], 0.0)


def _project_table(table, W, b):
    V, D = table.shape
    H = W.shape[1]
    Wp = jnp.pad(W, ((0, 0), (0, D - H)))
    bp = jnp.pad(b, (0, D - H)).reshape(1, D)
    grid = pl.cdiv(V, _ROW_BLK)
    return pl.pallas_call(
        _proj_body,
        grid=(grid,),
        in_specs=[
            pl.BlockSpec((_ROW_BLK, D), lambda i: (i, 0)),
            pl.BlockSpec((D, D), lambda i: (0, 0)),
            pl.BlockSpec((1, D), lambda i: (0, 0)),
        ],
        out_specs=pl.BlockSpec((_ROW_BLK, D), lambda i: (i, 0)),
        out_shape=jax.ShapeDtypeStruct((V, D), jnp.float32),
    )(table, Wp, bp)


def _make_gather(B, D, H):
    assert B % (_NW * 2 * _CH) == 0
    ipw = B // _NW
    nchunk = ipw // _CH

    mesh = plsc.VectorSubcoreMesh(
        core_axis_name="c", subcore_axis_name="s",
        num_cores=_NC, num_subcores=_NS,
    )

    @functools.partial(
        pl.kernel,
        out_type=jax.ShapeDtypeStruct((B, H), jnp.float32),
        mesh=mesh,
        scratch_types=[
            pltpu.VMEM((ipw,), jnp.int32),
            pltpu.VMEM((_CH, D), jnp.float32),
            pltpu.VMEM((_CH, D), jnp.float32),
            pltpu.VMEM((_CH, H), jnp.float32),
            pltpu.VMEM((_CH, H), jnp.float32),
            pltpu.SemaphoreType.DMA,
            pltpu.SemaphoreType.DMA,
            pltpu.SemaphoreType.DMA,
            pltpu.SemaphoreType.DMA,
        ],
    )
    def gather(ytab_hbm, idx_hbm, out_hbm, idx_v, ga, gb, pa, pb,
               gsa, gsb, wsa, wsb):
        wid = lax.axis_index("s") * _NC + lax.axis_index("c")
        base = wid * ipw
        pltpu.sync_copy(idx_hbm.at[pl.ds(base, ipw)], idx_v)

        bufg = (ga, gb)
        bufp = (pa, pb)
        gsem = (gsa, gsb)
        wsem = (wsa, wsb)

        def gather_copy(j, k):
            return pltpu.make_async_copy(
                ytab_hbm.at[idx_v.at[pl.ds(j * _CH, _CH)]], bufg[k], gsem[k])

        def wb_copy(j, k):
            return pltpu.make_async_copy(
                bufp[k], out_hbm.at[pl.ds(base + j * _CH, _CH)], wsem[k])

        gather_copy(0, 0).start()
        gather_copy(1, 1).start()

        def body(jj, carry):
            for k in (0, 1):
                j = 2 * jj + k
                gather_copy(j, k).wait()

                @pl.when(jj > 0)
                def _():
                    wb_copy(j - 2, k).wait()

                def compact(r8, c2):
                    for q in range(8):
                        for c in range(H // 16):
                            sl = pl.ds(c * 16, 16)
                            bufp[k][r8 * 8 + q, sl] = bufg[k][r8 * 8 + q, sl]
                    return c2

                lax.fori_loop(0, _CH // 8, compact, 0)
                wb_copy(j, k).start()

                @pl.when(j + 2 < nchunk)
                def _():
                    gather_copy(j + 2, k).start()
            return carry

        lax.fori_loop(0, nchunk // 2, body, 0)
        wb_copy(nchunk - 2, 0).wait()
        wb_copy(nchunk - 1, 1).wait()

    return gather


def kernel(pcp_batch, pcp_masks, table, W, b):
    n, s = pcp_batch.shape
    H = W.shape[1]
    ytab = _project_table(table, W, b)
    idx = pcp_batch.reshape(-1).astype(jnp.int32)
    y = _make_gather(n * s, table.shape[1], H)(ytab, idx)
    return y.reshape(n, s, H), pcp_masks

# --- scband reference (transcript-rebuilt; emitter-appended) ---
"""Pipeline reference for scband-pharmacophore-encoder-52982716564084 (READ-ONLY COPY).

The authoritative reference and input builder live on the scoring server;
editing this copy changes nothing except your own understanding.
"""

import jax, jax.numpy as jnp
import numpy as np

VOCAB = 39973
PAD = 39972
H = 64

def setup_inputs(seed: int = 0) -> dict:
    key = jax.random.key(seed)
    k1, k2, k3, k4 = jax.random.split(key, 4)
    pcp_batch = jax.random.randint(k1, (4096, 200), 0, VOCAB, dtype=jnp.int64 if jax.config.jax_enable_x64 else jnp.int32)
    pcp_masks = jax.random.uniform(k2, (4096, 200), dtype=jnp.float32)
    table = jax.random.normal(k3, (VOCAB, 2 * H), dtype=jnp.float32)
    table = table.at[PAD].set(0.0)  # padding_idx row is zero in torch
    W = jax.random.normal(k4, (2 * H, H), dtype=jnp.float32) * 0.05
    b = jnp.zeros((H,), dtype=jnp.float32)
    return {"pcp_batch": pcp_batch, "pcp_masks": pcp_masks, "table": table, "W": W, "b": b}

def reference(pcp_batch, pcp_masks, table, W, b):
    # nn.Embedding(39973, 2h, padding_idx=39972)
    emb = jnp.take(table, pcp_batch, axis=0)
    # enforce padding semantics (zero row, no grad through padding row)
    emb = emb * (pcp_batch != PAD)[..., None].astype(emb.dtype)
    # nn.Linear(2h, h) -> ReLU -> Dropout (eval mode => identity)
    y = jnp.maximum(emb @ W + b, 0.0)
    return (y, pcp_masks)

if __name__ == "__main__":
    import jax
    _d = setup_inputs()
    print(jax.jit(kernel)(*tuple(_d.values())))

</pallas_src>

<mosaic_0001>
#map = affine_map<(d0, d1) -> (0, 0)>
#map1 = affine_map<(d0, d1) -> (0)>
module attributes {stable_mosaic.version = 14 : i64} {
  func.func @gather(%arg0: i32, %arg1: i32, %arg2: memref<39973x128xf32, #tpu.memory_space<hbm>>, %arg3: memref<819200xi32, #tpu.memory_space<hbm>>, %arg4: memref<819200x64xf32, #tpu.memory_space<hbm>>, %arg5: memref<25600xi32, #tpu.memory_space<vmem>>, %arg6: memref<128x128xf32, #tpu.memory_space<vmem>>, %arg7: memref<128x128xf32, #tpu.memory_space<vmem>>, %arg8: memref<128x64xf32, #tpu.memory_space<vmem>>, %arg9: memref<128x64xf32, #tpu.memory_space<vmem>>, %arg10: memref<!tpu.dma_semaphore, #tpu.memory_space<semaphore_mem>>, %arg11: memref<!tpu.dma_semaphore, #tpu.memory_space<semaphore_mem>>, %arg12: memref<!tpu.dma_semaphore, #tpu.memory_space<semaphore_mem>>, %arg13: memref<!tpu.dma_semaphore, #tpu.memory_space<semaphore_mem>>) attributes {dimension_semantics = [#tpu.dimension_semantics<core_parallel>, #tpu.dimension_semantics<subcore_parallel>], iteration_bounds = array<i64: 2, 16>, scalar_prefetch = 0 : i64, scratch_operands = 9 : i64, tpu.core_type = #tpu.core_type<sc_vector_subcore>, window_params = [{transform_indices = #map}, {transform_indices = #map1}, {transform_indices = #map}]} {
    %mul3A = arith.constant 2 : i32
    %mul3A_0 = arith.muli %arg1, %mul3A : i32
    %add3A = arith.addi %mul3A_0, %arg0 : i32
    %mul3A_1 = arith.constant 25600 : i32
    %mul3A_2 = arith.muli %add3A, %mul3A_1 : i32
    "tpu.region"() ({
      %run_scoped3A = tpu.sem_alloc : memref<!tpu.dma_semaphore, #tpu.memory_space<semaphore_mem>>
      %dma_start3A_28 = tpu.memref_slice %arg3[%mul3A_2] : memref<819200xi32, #tpu.memory_space<hbm>> -> memref<25600xi32, #tpu.memory_space<hbm>>
      %dma_start3A_29 = tpu.memref_slice %arg3[%mul3A_2] : memref<819200xi32, #tpu.memory_space<hbm>> -> memref<25600xi32, #tpu.memory_space<hbm>>
      tpu.enqueue_dma source(%dma_start3A_29 : memref<25600xi32, #tpu.memory_space<hbm>>) target(%arg5 : memref<25600xi32, #tpu.memory_space<vmem>>) target_semaphore(%run_scoped3A : memref<!tpu.dma_semaphore, #tpu.memory_space<semaphore_mem>>)
      %dma_wait3A_30 = tpu.memref_slice %arg3[%mul3A_2] : memref<819200xi32, #tpu.memory_space<hbm>> -> memref<25600xi32, #tpu.memory_space<hbm>>
      %dma_wait3A_31 = tpu.memref_slice %arg3[%mul3A_2] : memref<819200xi32, #tpu.memory_space<hbm>> -> memref<25600xi32, #tpu.memory_space<hbm>>
      tpu.wait_dma2 semaphore(%run_scoped3A : memref<!tpu.dma_semaphore, #tpu.memory_space<semaphore_mem>>) src(%dma_wait3A_31 : memref<25600xi32, #tpu.memory_space<hbm>>) dst(%arg5 : memref<25600xi32, #tpu.memory_space<vmem>>)
      tpu.yield
    }) : () -> ()
    %dma_start3A = arith.constant 0 : i32
    %dma_start3A_3 = tpu.memref_slice %arg5[%dma_start3A] : memref<25600xi32, #tpu.memory_space<vmem>> -> memref<128xi32, #tpu.memory_space<vmem>>
    %dma_start3A_4 = arith.constant 0 : i32
    %dma_start3A_5 = arith.constant 0 : i32
    %dma_start3A_6 = tpu.memref_slice %arg2[%dma_start3A_4, %dma_start3A_5] : memref<39973x128xf32, #tpu.memory_space<hbm>> -> memref<39973x128xf32, #tpu.memory_space<hbm>>
    tpu.enqueue_indirect_dma source(%dma_start3A_6 : memref<39973x128xf32, #tpu.memory_space<hbm>>) target(%arg6 : memref<128x128xf32, #tpu.memory_space<vmem>>) offsets(%dma_start3A_3 : memref<128xi32, #tpu.memory_space<vmem>>) semaphore(%arg10 : memref<!tpu.dma_semaphore, #tpu.memory_space<semaphore_mem>>)
    %dma_start3A_7 = arith.constant 128 : i32
    %dma_start3A_8 = tpu.memref_slice %arg5[%dma_start3A_7] : memref<25600xi32, #tpu.memory_space<vmem>> -> memref<128xi32, #tpu.memory_space<vmem>>
    %dma_start3A_9 = arith.constant 0 : i32
    %dma_start3A_10 = arith.constant 0 : i32
    %dma_start3A_11 = tpu.memref_slice %arg2[%dma_start3A_9, %dma_start3A_10] : memref<39973x128xf32, #tpu.memory_space<hbm>> -> memref<39973x128xf32, #tpu.memory_space<hbm>>
    tpu.enqueue_indirect_dma source(%dma_start3A_11 : memref<39973x128xf32, #tpu.memory_space<hbm>>) target(%arg7 : memref<128x128xf32, #tpu.memory_space<vmem>>) offsets(%dma_start3A_8 : memref<128xi32, #tpu.memory_space<vmem>>) semaphore(%arg11 : memref<!tpu.dma_semaphore, #tpu.memory_space<semaphore_mem>>)
    %scan3A = arith.constant 0 : i32
    %scan3A_12 = arith.constant 0 : i32
    %scan3A_13 = arith.constant 100 : i32
    %scan3A_14 = arith.addi %scan3A_12, %scan3A_13 : i32
    %scan3A_15 = arith.constant 1 : i32
    scf.for %scan3A_28 = %scan3A_12 to %scan3A_14 step %scan3A_15  : i32 {
      %mul3A_29 = arith.constant 2 : i32
      %mul3A_30 = arith.muli %mul3A_29, %scan3A_28 : i32
      %add3A_31 = arith.constant 0 : i32
      %add3A_32 = arith.addi %mul3A_30, %add3A_31 : i32
      %mul3A_33 = arith.constant 128 : i32
      %mul3A_34 = arith.muli %add3A_32, %mul3A_33 : i32
      %dma_wait3A_35 = tpu.memref_slice %arg5[%mul3A_34] : memref<25600xi32, #tpu.memory_space<vmem>> -> memref<128xi32, #tpu.memory_space<vmem>>
      %dma_wait3A_36 = arith.constant 0 : i32
      %dma_wait3A_37 = arith.constant 0 : i32
      %dma_wait3A_38 = tpu.memref_slice %arg2[%dma_wait3A_36, %dma_wait3A_37] : memref<39973x128xf32, #tpu.memory_space<hbm>> -> memref<39973x128xf32, #tpu.memory_space<hbm>>
      tpu.wait_indirect_dma semaphore(%arg10 : memref<!tpu.dma_semaphore, #tpu.memory_space<semaphore_mem>>) src(%dma_wait3A_38 : memref<39973x128xf32, #tpu.memory_space<hbm>>) dst(%arg6 : memref<128x128xf32, #tpu.memory_space<vmem>>)
      %gt3A = arith.constant 0 : i32
      %gt3A_39 = arith.cmpi sgt, %scan3A_28, %gt3A : i32
      %convert_element_type3A = arith.extui %gt3A_39 : i1 to i32
      %cond3A = arith.constant 0 : i32
      %cond3A_40 = arith.cmpi ne, %convert_element_type3A, %cond3A : i32
      scf.if %cond3A_40 {
        %sub3A = arith.constant 2 : i32
        %sub3A_95 = arith.subi %add3A_32, %sub3A : i32
        %mul3A_96 = arith.constant 128 : i32
        %mul3A_97 = arith.muli %sub3A_95, %mul3A_96 : i32
        %add3A_98 = arith.addi %mul3A_2, %mul3A_97 : i32
        %dma_wait3A_99 = arith.constant 0 : i32
        %dma_wait3A_100 = tpu.memref_slice %arg4[%add3A_98, %dma_wait3A_99] : memref<819200x64xf32, #tpu.memory_space<hbm>> -> memref<128x64xf32, #tpu.memory_space<hbm>>
        %dma_wait3A_101 = arith.constant 0 : i32
        %dma_wait3A_102 = tpu.memref_slice %arg4[%add3A_98, %dma_wait3A_101] : memref<819200x64xf32, #tpu.memory_space<hbm>> -> memref<128x64xf32, #tpu.memory_space<hbm>>
        tpu.wait_dma2 semaphore(%arg12 : memref<!tpu.dma_semaphore, #tpu.memory_space<semaphore_mem>>) src(%arg8 : memref<128x64xf32, #tpu.memory_space<vmem>>) dst(%dma_wait3A_102 : memref<128x64xf32, #tpu.memory_space<hbm>>)
      } else {
      }
      %scan3A_41 = arith.constant 0 : i32
      %scan3A_42 = arith.constant 0 : i32
      %scan3A_43 = arith.constant 16 : i32
      %scan3A_44 = arith.addi %scan3A_42, %scan3A_43 : i32
      %scan3A_45 = arith.constant 1 : i32
      scf.for %scan3A_95 = %scan3A_42 to %scan3A_44 step %scan3A_45  : i32 {
        %mul3A_96 = arith.constant 8 : i32
        %mul3A_97 = arith.muli %scan3A_95, %mul3A_96 : i32
        %add3A_98 = arith.constant 0 : i32
        %add3A_99 = arith.addi %mul3A_97, %add3A_98 : i32
        %get3A = arith.index_cast %add3A_99 : i32 to index
        %get3A_100 = arith.constant 0 : index
        %get3A_101 = tpu.vector_load %arg6[%get3A, %get3A_100] {strides = array<i32>} : memref<128x128xf32, #tpu.memory_space<vmem>>, vector<1x16xf32>,
        %get3A_102 = vector.shape_cast %get3A_101 : vector<1x16xf32> to vector<16xf32>
        %mul3A_103 = arith.constant 8 : i32
        %mul3A_104 = arith.muli %scan3A_95, %mul3A_103 : i32
        %add3A_105 = arith.constant 0 : i32
        %add3A_106 = arith.addi %mul3A_104, %add3A_105 : i32
        %swap3A = arith.index_cast %add3A_106 : i32 to index
        %swap3A_107 = arith.constant 0 : index
        %swap3A_108 = tpu.vector_load %arg8[%swap3A, %swap3A_107] {strides = array<i32>} : memref<128x64xf32, #tpu.memory_space<vmem>>, vector<1x16xf32>,
        %swap3A_109 = vector.shape_cast %swap3A_108 : vector<1x16xf32> to vector<16xf32>
        %swap3A_110 = vector.shape_cast %get3A_102 : vector<16xf32> to vector<1x16xf32>
        tpu.vector_store %arg8[%swap3A, %swap3A_107], %swap3A_110 {strides = array<i32>} : memref<128x64xf32, #tpu.memory_space<vmem>>, vector<1x16xf32>,
        %mul3A_111 = arith.constant 8 : i32
        %mul3A_112 = arith.muli %scan3A_95, %mul3A_111 : i32
        %add3A_113 = arith.constant 0 : i32
        %add3A_114 = arith.addi %mul3A_112, %add3A_113 : i32
        %get3A_115 = arith.index_cast %add3A_114 : i32 to index
        %get3A_116 = arith.constant 16 : index
        %get3A_117 = tpu.vector_load %arg6[%get3A_115, %get3A_116] {strides = array<i32>} : memref<128x128xf32, #tpu.memory_space<vmem>>, vector<1x16xf32>,
        %get3A_118 = vector.shape_cast %get3A_117 : vector<1x16xf32> to vector<16xf32>
        %mul3A_119 = arith.constant 8 : i32
        %mul3A_120 = arith.muli %scan3A_95, %mul3A_119 : i32
        %add3A_121 = arith.constant 0 : i32
        %add3A_122 = arith.addi %mul3A_120, %add3A_121 : i32
        %swap3A_123 = arith.index_cast %add3A_122 : i32 to index
        %swap3A_124 = arith.constant 16 : index
        %swap3A_125 = tpu.vector_load %arg8[%swap3A_123, %swap3A_124] {strides = array<i32>} : memref<128x64xf32, #tpu.memory_space<vmem>>, vector<1x16xf32>,
        %swap3A_126 = vector.shape_cast %swap3A_125 : vector<1x16xf32> to vector<16xf32>
        %swap3A_127 = vector.shape_cast %get3A_118 : vector<16xf32> to vector<1x16xf32>
        tpu.vector_store %arg8[%swap3A_123, %swap3A_124], %swap3A_127 {strides = array<i32>} : memref<128x64xf32, #tpu.memory_space<vmem>>, vector<1x16xf32>,
        %mul3A_128 = arith.constant 8 : i32
        %mul3A_129 = arith.muli %scan3A_95, %mul3A_128 : i32
        %add3A_130 = arith.constant 0 : i32
        %add3A_131 = arith.addi %mul3A_129, %add3A_130 : i32
        %get3A_132 = arith.index_cast %add3A_131 : i32 to index
        %get3A_133 = arith.constant 32 : index
        %get3A_134 = tpu.vector_load %arg6[%get3A_132, %get3A_133] {strides = array<i32>} : memref<128x128xf32, #tpu.memory_space<vmem>>, vector<1x16xf32>,
        %get3A_135 = vector.shape_cast %get3A_134 : vector<1x16xf32> to vector<16xf32>
        %mul3A_136 = arith.constant 8 : i32
        %mul3A_137 = arith.muli %scan3A_95, %mul3A_136 : i32
        %add3A_138 = arith.constant 0 : i32
        %add3A_139 = arith.addi %mul3A_137, %add3A_138 : i32
        %swap3A_140 = arith.index_cast %add3A_139 : i32 to index
        %swap3A_141 = arith.constant 32 : index
        %swap3A_142 = tpu.vector_load %arg8[%swap3A_140, %swap3A_141] {strides = array<i32>} : memref<128x64xf32, #tpu.memory_space<vmem>>, vector<1x16xf32>,
        %swap3A_143 = vector.shape_cast %swap3A_142 : vector<1x16xf32> to vector<16xf32>
        %swap3A_144 = vector.shape_cast %get3A_135 : vector<16xf32> to vector<1x16xf32>
        tpu.vector_store %arg8[%swap3A_140, %swap3A_141], %swap3A_144 {strides = array<i32>} : memref<128x64xf32, #tpu.memory_space<vmem>>, vector<1x16xf32>,
        %mul3A_145 = arith.constant 8 : i32
        %mul3A_146 = arith.muli %scan3A_95, %mul3A_145 : i32
        %add3A_147 = arith.constant 0 : i32
        %add3A_148 = arith.addi %mul3A_146, %add3A_147 : i32
        %get3A_149 = arith.index_cast %add3A_148 : i32 to index
        %get3A_150 = arith.constant 48 : index
        %get3A_151 = tpu.vector_load %arg6[%get3A_149, %get3A_150] {strides = array<i32>} : memref<128x128xf32, #tpu.memory_space<vmem>>, vector<1x16xf32>,
        %get3A_152 = vector.shape_cast %get3A_151 : vector<1x16xf32> to vector<16xf32>
        %mul3A_153 = arith.constant 8 : i32
        %mul3A_154 = arith.muli %scan3A_95, %mul3A_153 : i32
        %add3A_155 = arith.constant 0 : i32
        %add3A_156 = arith.addi %mul3A_154, %add3A_155 : i32
        %swap3A_157 = arith.index_cast %add3A_156 : i32 to index
        %swap3A_158 = arith.constant 48 : index
        %swap3A_159 = tpu.vector_load %arg8[%swap3A_157, %swap3A_158] {strides = array<i32>} : memref<128x64xf32, #tpu.memory_space<vmem>>, vector<1x16xf32>,
        %swap3A_160 = vector.shape_cast %swap3A_159 : vector<1x16xf32> to vector<16xf32>
        %swap3A_161 = vector.shape_cast %get3A_152 : vector<16xf32> to vector<1x16xf32>
        tpu.vector_store %arg8[%swap3A_157, %swap3A_158], %swap3A_161 {strides = array<i32>} : memref<128x64xf32, #tpu.memory_space<vmem>>, vector<1x16xf32>,
        %mul3A_162 = arith.constant 8 : i32
        %mul3A_163 = arith.muli %scan3A_95, %mul3A_162 : i32
        %add3A_164 = arith.constant 1 : i32
        %add3A_165 = arith.addi %mul3A_163, %add3A_164 : i32
        %get3A_166 = arith.index_cast %add3A_165 : i32 to index
        %get3A_167 = arith.constant 0 : index
        %get3A_168 = tpu.vector_load %arg6[%get3A_166, %get3A_167] {strides = array<i32>} : memref<128x128xf32, #tpu.memory_space<vmem>>, vector<1x16xf32>,
        %get3A_169 = vector.shape_cast %get3A_168 : vector<1x16xf32> to vector<16xf32>
        %mul3A_170 = arith.constant 8 : i32
        %mul3A_171 = arith.muli %scan3A_95, %mul3A_170 : i32
        %add3A_172 = arith.constant 1 : i32
        %add3A_173 = arith.addi %mul3A_171, %add3A_172 : i32
        %swap3A_174 = arith.index_cast %add3A_173 : i32 to index
        %swap3A_175 = arith.constant 0 : index
        %swap3A_176 = tpu.vector_load %arg8[%swap3A_174, %swap3A_175] {strides = array<i32>} : memref<128x64xf32, #tpu.memory_space<vmem>>, vector<1x16xf32>,
        %swap3A_177 = vector.shape_cast %swap3A_176 : vector<1x16xf32> to vector<16xf32>
        %swap3A_178 = vector.shape_cast %get3A_169 : vector<16xf32> to vector<1x16xf32>
        tpu.vector_store %arg8[%swap3A_174, %swap3A_175], %swap3A_178 {strides = array<i32>} : memref<128x64xf32, #tpu.memory_space<vmem>>, vector<1x16xf32>,
        %mul3A_179 = arith.constant 8 : i32
        %mul3A_180 = arith.muli %scan3A_95, %mul3A_179 : i32
        %add3A_181 = arith.constant 1 : i32
        %add3A_182 = arith.addi %mul3A_180, %add3A_181 : i32
        %get3A_183 = arith.index_cast %add3A_182 : i32 to index
        %get3A_184 = arith.constant 16 : index
        %get3A_185 = tpu.vector_load %arg6[%get3A_183, %get3A_184] {strides = array<i32>} : memref<128x128xf32, #tpu.memory_space<vmem>>, vector<1x16xf32>,
        %get3A_186 = vector.shape_cast %get3A_185 : vector<1x16xf32> to vector<16xf32>
        %mul3A_187 = arith.constant 8 : i32
        %mul3A_188 = arith.muli %scan3A_95, %mul3A_187 : i32
        %add3A_189 = arith.constant 1 : i32
        %add3A_190 = arith.addi %mul3A_188, %add3A_189 : i32
        %swap3A_191 = arith.index_cast %add3A_190 : i32 to index
        %swap3A_192 = arith.constant 16 : index
        %swap3A_193 = tpu.vector_load %arg8[%swap3A_191, %swap3A_192] {strides = array<i32>} : memref<128x64xf32, #tpu.memory_space<vmem>>, vector<1x16xf32>,
        %swap3A_194 = vector.shape_cast %swap3A_193 : vector<1x16xf32> to vector<16xf32>
        %swap3A_195 = vector.shape_cast %get3A_186 : vector<16xf32> to vector<1x16xf32>
        tpu.vector_store %arg8[%swap3A_191, %swap3A_192], %swap3A_195 {strides = array<i32>} : memref<128x64xf32, #tpu.memory_space<vmem>>, vector<1x16xf32>,
        %mul3A_196 = arith.constant 8 : i32
        %mul3A_197 = arith.muli %scan3A_95, %mul3A_196 : i32
        %add3A_198 = arith.constant 1 : i32
        %add3A_199 = arith.addi %mul3A_197, %add3A_198 : i32
        %get3A_200 = arith.index_cast %add3A_199 : i32 to index
        %get3A_201 = arith.constant 32 : index
        %get3A_202 = tpu.vector_load %arg6[%get3A_200, %get3A_201] {strides = array<i32>} : memref<128x128xf32, #tpu.memory_space<vmem>>, vector<1x16xf32>,
        %get3A_203 = vector.shape_cast %get3A_202 : vector<1x16xf32> to vector<16xf32>
        %mul3A_204 = arith.constant 8 : i32
        %mul3A_205 = arith.muli %scan3A_95, %mul3A_204 : i32
        %add3A_206 = arith.constant 1 : i32
        %add3A_207 = arith.addi %mul3A_205, %add3A_206 : i32
        %swap3A_208 = arith.index_cast %add3A_207 : i32 to index
        %swap3A_209 = arith.constant 32 : index
        %swap3A_210 = tpu.vector_load %arg8[%swap3A_208, %swap3A_209] {strides = array<i32>} : memref<128x64xf32, #tpu.memory_space<vmem>>, vector<1x16xf32>,
        %swap3A_211 = vector.shape_cast %swap3A_210 : vector<1x16xf32> to vector<16xf32>
        %swap3A_212 = vector.shape_cast %get3A_203 : vector<16xf32> to vector<1x16xf32>
        tpu.vector_store %arg8[%swap3A_208, %swap3A_209], %swap3A_212 {strides = array<i32>} : memref<128x64xf32, #tpu.memory_space<vmem>>, vector<1x16xf32>,
        %mul3A_213 = arith.constant 8 : i32
        %mul3A_214 = arith.muli %scan3A_95, %mul3A_213 : i32
        %add3A_215 = arith.constant 1 : i32
        %add3A_216 = arith.addi %mul3A_214, %add3A_215 : i32
        %get3A_217 = arith.index_cast %add3A_216 : i32 to index
        %get3A_218 = arith.constant 48 : index
        %get3A_219 = tpu.vector_load %arg6[%get3A_217, %get3A_218] {strides = array<i32>} : memref<128x128xf32, #tpu.memory_space<vmem>>, vector<1x16xf32>,
        %get3A_220 = vector.shape_cast %get3A_219 : vector<1x16xf32> to vector<16xf32>
        %mul3A_221 = arith.constant 8 : i32
        %mul3A_222 = arith.muli %scan3A_95, %mul3A_221 : i32
        %add3A_223 = arith.constant 1 : i32
        %add3A_224 = arith.addi %mul3A_222, %add3A_223 : i32
        %swap3A_225 = arith.index_cast %add3A_224 : i32 to index
        %swap3A_226 = arith.constant 48 : index
        %swap3A_227 = tpu.vector_load %arg8[%swap3A_225, %swap3A_226] {strides = array<i32>} : memref<128x64xf32, #tpu.memory_space<vmem>>, vector<1x16xf32>,
        %swap3A_228 = vector.shape_cast %swap3A_227 : vector<1x16xf32> to vector<16xf32>
        %swap3A_229 = vector.shape_cast %get3A_220 : vector<16xf32> to vector<1x16xf32>
        tpu.vector_store %arg8[%swap3A_225, %swap3A_226], %swap3A_229 {strides = array<i32>} : memref<128x64xf32, #tpu.memory_space<vmem>>, vector<1x16xf32>,
        %mul3A_230 = arith.constant 8 : i32
        %mul3A_231 = arith.muli %scan3A_95, %mul3A_230 : i32
        %add3A_232 = arith.constant 2 : i32
        %add3A_233 = arith.addi %mul3A_231, %add3A_232 : i32
        %get3A_234 = arith.index_cast %add3A_233 : i32 to index
        %get3A_235 = arith.constant 0 : index
        %get3A_236 = tpu.vector_load %arg6[%get3A_234, %get3A_235] {strides = array<i32>} : memref<128x128xf32, #tpu.memory_space<vmem>>, vector<1x16xf32>,
        %get3A_237 = vector.shape_cast %get3A_236 : vector<1x16xf32> to vector<16xf32>
        %mul3A_238 = arith.constant 8 : i32
        %mul3A_239 = arith.muli %scan3A_95, %mul3A_238 : i32
        %add3A_240 = arith.constant 2 : i32
        %add3A_241 = arith.addi %mul3A_239, %add3A_240 : i32
        %swap3A_242 = arith.index_cast %add3A_241 : i32 to index
        %swap3A_243 = arith.constant 0 : index
        %swap3A_244 = tpu.vector_load %arg8[%swap3A_242, %swap3A_243] {strides = array<i32>} : memref<128x64xf32, #tpu.memory_space<vmem>>, vector<1x16xf32>,
        %swap3A_245 = vector.shape_cast %swap3A_244 : vector<1x16xf32> to vector<16xf32>
        %swap3A_246 = vector.shape_cast %get3A_237 : vector<16xf32> to vector<1x16xf32>
        tpu.vector_store %arg8[%swap3A_242, %swap3A_243], %swap3A_246 {strides = array<i32>} : memref<128x64xf32, #tpu.memory_space<vmem>>, vector<1x16xf32>,
        %mul3A_247 = arith.constant 8 : i32
        %mul3A_248 = arith.muli %scan3A_95, %mul3A_247 : i32
        %add3A_249 = arith.constant 2 : i32
        %add3A_250 = arith.addi %mul3A_248, %add3A_249 : i32
        %get3A_251 = arith.index_cast %add3A_250 : i32 to index
        %get3A_252 = arith.constant 16 : index
        %get3A_253 = tpu.vector_load %arg6[%get3A_251, %get3A_252] {strides = array<i32>} : memref<128x128xf32, #tpu.memory_space<vmem>>, vector<1x16xf32>,
        %get3A_254 = vector.shape_cast %get3A_253 : vector<1x16xf32> to vector<16xf32>
        %mul3A_255 = arith.constant 8 : i32
        %mul3A_256 = arith.muli %scan3A_95, %mul3A_255 : i32
        %add3A_257 = arith.constant 2 : i32
        %add3A_258 = arith.addi %mul3A_256, %add3A_257 : i32
        %swap3A_259 = arith.index_cast %add3A_258 : i32 to index
        %swap3A_260 = arith.constant 16 : index
        %swap3A_261 = tpu.vector_load %arg8[%swap3A_259, %swap3A_260] {strides = array<i32>} : memref<128x64xf32, #tpu.memory_space<vmem>>, vector<1x16xf32>,
        %swap3A_262 = vector.shape_cast %swap3A_261 : vector<1x16xf32> to vector<16xf32>
        %swap3A_263 = vector.shape_cast %get3A_254 : vector<16xf32> to vector<1x16xf32>
        tpu.vector_store %arg8[%swap3A_259, %swap3A_260], %swap3A_263 {strides = array<i32>} : memref<128x64xf32, #tpu.memory_space<vmem>>, vector<1x16xf32>,
        %mul3A_264 = arith.constant 8 : i32
        %mul3A_265 = arith.muli %scan3A_95, %mul3A_264 : i32
        %add3A_266 = arith.constant 2 : i32
        %add3A_267 = arith.addi %mul3A_265, %add3A_266 : i32
        %get3A_268 = arith.index_cast %add3A_267 : i32 to index
        %get3A_269 = arith.constant 32 : index
        %get3A_270 = tpu.vector_load %arg6[%get3A_268, %get3A_269] {strides = array<i32>} : memref<128x128xf32, #tpu.memory_space<vmem>>, vector<1x16xf32>,
        %get3A_271 = vector.shape_cast %get3A_270 : vector<1x16xf32> to vector<16xf32>
        %mul3A_272 = arith.constant 8 : i32
        %mul3A_273 = arith.muli %scan3A_95, %mul3A_272 : i32
        %add3A_274 = arith.constant 2 : i32
        %add3A_275 = arith.addi %mul3A_273, %add3A_274 : i32
        %swap3A_276 = arith.index_cast %add3A_275 : i32 to index
        %swap3A_277 = arith.constant 32 : index
        %swap3A_278 = tpu.vector_load %arg8[%swap3A_276, %swap3A_277] {strides = array<i32>} : memref<128x64xf32, #tpu.memory_space<vmem>>, vector<1x16xf32>,
        %swap3A_279 = vector.shape_cast %swap3A_278 : vector<1x16xf32> to vector<16xf32>
        %swap3A_280 = vector.shape_cast %get3A_271 : vector<16xf32> to vector<1x16xf32>
        tpu.vector_store %arg8[%swap3A_276, %swap3A_277], %swap3A_280 {strides = array<i32>} : memref<128x64xf32, #tpu.memory_space<vmem>>, vector<1x16xf32>,
        %mul3A_281 = arith.constant 8 : i32
        %mul3A_282 = arith.muli %scan3A_95, %mul3A_281 : i32
        %add3A_283 = arith.constant 2 : i32
        %add3A_284 = arith.addi %mul3A_282, %add3A_283 : i32
        %get3A_285 = arith.index_cast %add3A_284 : i32 to index
        %get3A_286 = arith.constant 48 : index
        %get3A_287 = tpu.vector_load %arg6[%get3A_285, %get3A_286] {strides = array<i32>} : memref<128x128xf32, #tpu.memory_space<vmem>>, vector<1x16xf32>,
        %get3A_288 = vector.shape_cast %get3A_287 : vector<1x16xf32> to vector<16xf32>
        %mul3A_289 = arith.constant 8 : i32
        %mul3A_290 = arith.muli %scan3A_95, %mul3A_289 : i32
        %add3A_291 = arith.constant 2 : i32
        %add3A_292 = arith.addi %mul3A_290, %add3A_291 : i32
        %swap3A_293 = arith.index_cast %add3A_292 : i32 to index
        %swap3A_294 = arith.constant 48 : index
        %swap3A_295 = tpu.vector_load %arg8[%swap3A_293, %swap3A_294] {strides = array<i32>} : memref<128x64xf32, #tpu.memory_space<vmem>>, vector<1x16xf32>,
        %swap3A_296 = vector.shape_cast %swap3A_295 : vector<1x16xf32> to vector<16xf32>
        %swap3A_297 = vector.shape_cast %get3A_288 : vector<16xf32> to vector<1x16xf32>
        tpu.vector_store %arg8[%swap3A_293, %swap3A_294], %swap3A_297 {strides = array<i32>} : memref<128x64xf32, #tpu.memory_space<vmem>>, vector<1x16xf32>,
        %mul3A_298 = arith.constant 8 : i32
        %mul3A_299 = arith.muli %scan3A_95, %mul3A_298 : i32
        %add3A_300 = arith.constant 3 : i32
        %add3A_301 = arith.addi %mul3A_299, %add3A_300 : i32
        %get3A_302 = arith.index_cast %add3A_301 : i32 to index
        %get3A_303 = arith.constant 0 : index
        %get3A_304 = tpu.vector_load %arg6[%get3A_302, %get3A_303] {strides = array<i32>} : memref<128x128xf32, #tpu.memory_space<vmem>>, vector<1x16xf32>,
        %get3A_305 = vector.shape_cast %get3A_304 : vector<1x16xf32> to vector<16xf32>
        %mul3A_306 = arith.constant 8 : i32
        %mul3A_307 = arith.muli %scan3A_95, %mul3A_306 : i32
        %add3A_308 = arith.constant 3 : i32
        %add3A_309 = arith.addi %mul3A_307, %add3A_308 : i32
        %swap3A_310 = arith.index_cast %add3A_309 : i32 to index
        %swap3A_311 = arith.constant 0 : index
        %swap3A_312 = tpu.vector_load %arg8[%swap3A_310, %swap3A_311] {strides = array<i32>} : memref<128x64xf32, #tpu.memory_space<vmem>>, vector<1x16xf32>,
        %swap3A_313 = vector.shape_cast %swap3A_312 : vector<1x16xf32> to vector<16xf32>
        %swap3A_314 = vector.shape_cast %get3A_305 : vector<16xf32> to vector<1x16xf32>
        tpu.vector_store %arg8[%swap3A_310, %swap3A_311], %swap3A_314 {strides = array<i32>} : memref<128x64xf32, #tpu.memory_space<vmem>>, vector<1x16xf32>,
        %mul3A_315 = arith.constant 8 : i32
        %mul3A_316 = arith.muli %scan3A_95, %mul3A_315 : i32
        %add3A_317 = arith.constant 3 : i32
        %add3A_318 = arith.addi %mul3A_316, %add3A_317 : i32
        %get3A_319 = arith.index_cast %add3A_318 : i32 to index
        %get3A_320 = arith.constant 16 : index
        %get3A_321 = tpu.vector_load %arg6[%get3A_319, %get3A_320] {strides = array<i32>} : memref<128x128xf32, #tpu.memory_space<vmem>>, vector<1x16xf32>,
        %get3A_322 = vector.shape_cast %get3A_321 : vector<1x16xf32> to vector<16xf32>
        %mul3A_323 = arith.constant 8 : i32
        %mul3A_324 = arith.muli %scan3A_95, %mul3A_323 : i32
        %add3A_325 = arith.constant 3 : i32
        %add3A_326 = arith.addi %mul3A_324, %add3A_325 : i32
        %swap3A_327 = arith.index_cast %add3A_326 : i32 to index
        %swap3A_328 = arith.constant 16 : index
        %swap3A_329 = tpu.vector_load %arg8[%swap3A_327, %swap3A_328] {strides = array<i32>} : memref<128x64xf32, #tpu.memory_space<vmem>>, vector<1x16xf32>,
        %swap3A_330 = vector.shape_cast %swap3A_329 : vector<1x16xf32> to vector<16xf32>
        %swap3A_331 = vector.shape_cast %get3A_322 : vector<16xf32> to vector<1x16xf32>
        tpu.vector_store %arg8[%swap3A_327, %swap3A_328], %swap3A_331 {strides = array<i32>} : memref<128x64xf32, #tpu.memory_space<vmem>>, vector<1x16xf32>,
        %mul3A_332 = arith.constant 8 : i32
        %mul3A_333 = arith.muli %scan3A_95, %mul3A_332 : i32
        %add3A_334 = arith.constant 3 : i32
        %add3A_335 = arith.addi %mul3A_333, %add3A_334 : i32
        %get3A_336 = arith.index_cast %add3A_335 : i32 to index
        %get3A_337 = arith.constant 32 : index
        %get3A_338 = tpu.vector_load %arg6[%get3A_336, %get3A_337] {strides = array<i32>} : memref<128x128xf32, #tpu.memory_space<vmem>>, vector<1x16xf32>,
        %get3A_339 = vector.shape_cast %get3A_338 : vector<1x16xf32> to vector<16xf32>
        %mul3A_340 = arith.constant 8 : i32
        %mul3A_341 = arith.muli %scan3A_95, %mul3A_340 : i32
        %add3A_342 = arith.constant 3 : i32
        %add3A_343 = arith.addi %mul3A_341, %add3A_342 : i32
        %swap3A_344 = arith.index_cast %add3A_343 : i32 to index
        %swap3A_345 = arith.constant 32 : index
        %swap3A_346 = tpu.vector_load %arg8[%swap3A_344, %swap3A_345] {strides = array<i32>} : memref<128x64xf32, #tpu.memory_space<vmem>>, vector<1x16xf32>,
        %swap3A_347 = vector.shape_cast %swap3A_346 : vector<1x16xf32> to vector<16xf32>
        %swap3A_348 = vector.shape_cast %get3A_339 : vector<16xf32> to vector<1x16xf32>
        tpu.vector_store %arg8[%swap3A_344, %swap3A_345], %swap3A_348 {strides = array<i32>} : memref<128x64xf32, #tpu.memory_space<vmem>>, vector<1x16xf32>,
        %mul3A_349 = arith.constant 8 : i32
        %mul3A_350 = arith.muli %scan3A_95, %mul3A_349 : i32
        %add3A_351 = arith.constant 3 : i32
        %add3A_352 = arith.addi %mul3A_350, %add3A_351 : i32
        %get3A_353 = arith.index_cast %add3A_352 : i32 to index
        %get3A_354 = arith.constant 48 : index
        %get3A_355 = tpu.vector_load %arg6[%get3A_353, %get3A_354] {strides = array<i32>} : memref<128x128xf32, #tpu.memory_space<vmem>>, vector<1x16xf32>,
        %get3A_356 = vector.shape_cast %get3A_355 : vector<1x16xf32> to vector<16xf32>
        %mul3A_357 = arith.constant 8 : i32
        %mul3A_358 = arith.muli %scan3A_95, %mul3A_357 : i32
        %add3A_359 = arith.constant 3 : i32
        %add3A_360 = arith.addi %mul3A_358, %add3A_359 : i32
        %swap3A_361 = arith.index_cast %add3A_360 : i32 to index
        %swap3A_362 = arith.constant 48 : index
        %swap3A_363 = tpu.vector_load %arg8[%swap3A_361, %swap3A_362] {strides = array<i32>} : memref<128x64xf32, #tpu.memory_space<vmem>>, vector<1x16xf32>,
        %swap3A_364 = vector.shape_cast %swap3A_363 : vector<1x16xf32> to vector<16xf32>
        %swap3A_365 = vector.shape_cast %get3A_356 : vector<16xf32> to vector<1x16xf32>
        tpu.vector_store %arg8[%swap3A_361, %swap3A_362], %swap3A_365 {strides = array<i32>} : memref<128x64xf32, #tpu.memory_space<vmem>>, vector<1x16xf32>,
        %mul3A_366 = arith.constant 8 : i32
        %mul3A_367 = arith.muli %scan3A_95, %mul3A_366 : i32
        %add3A_368 = arith.constant 4 : i32
        %add3A_369 = arith.addi %mul3A_367, %add3A_368 : i32
        %get3A_370 = arith.index_cast %add3A_369 : i32 to index
        %get3A_371 = arith.constant 0 : index
        %get3A_372 = tpu.vector_load %arg6[%get3A_370, %get3A_371] {strides = array<i32>} : memref<128x128xf32, #tpu.memory_space<vmem>>, vector<1x16xf32>,
        %get3A_373 = vector.shape_cast %get3A_372 : vector<1x16xf32> to vector<16xf32>
        %mul3A_374 = arith.constant 8 : i32
        %mul3A_375 = arith.muli %scan3A_95, %mul3A_374 : i32
        %add3A_376 = arith.constant 4 : i32
        %add3A_377 = arith.addi %mul3A_375, %add3A_376 : i32
        %swap3A_378 = arith.index_cast %add3A_377 : i32 to index
        %swap3A_379 = arith.constant 0 : index
        %swap3A_380 = tpu.vector_load %arg8[%swap3A_378, %swap3A_379] {strides = array<i32>} : memref<128x64xf32, #tpu.memory_space<vmem>>, vector<1x16xf32>,
        %swap3A_381 = vector.shape_cast %swap3A_380 : vector<1x16xf32> to vector<16xf32>
        %swap3A_382 = vector.shape_cast %get3A_373 : vector<16xf32> to vector<1x16xf32>
        tpu.vector_store %arg8[%swap3A_378, %swap3A_379], %swap3A_382 {strides = array<i32>} : memref<128x64xf32, #tpu.memory_space<vmem>>, vector<1x16xf32>,
        %mul3A_383 = arith.constant 8 : i32
        %mul3A_384 = arith.muli %scan3A_95, %mul3A_383 : i32
        %add3A_385 = arith.constant 4 : i32
        %add3A_386 = arith.addi %mul3A_384, %add3A_385 : i32
        %get3A_387 = arith.index_cast %add3A_386 : i32 to index
        %get3A_388 = arith.constant 16 : index
        %get3A_389 = tpu.vector_load %arg6[%get3A_387, %get3A_388] {strides = array<i32>} : memref<128x128xf32, #tpu.memory_space<vmem>>, vector<1x16xf32>,
        %get3A_390 = vector.shape_cast %get3A_389 : vector<1x16xf32> to vector<16xf32>
        %mul3A_391 = arith.constant 8 : i32
        %mul3A_392 = arith.muli %scan3A_95, %mul3A_391 : i32
        %add3A_393 = arith.constant 4 : i32
        %add3A_394 = arith.addi %mul3A_392, %add3A_393 : i32
        %swap3A_395 = arith.index_cast %add3A_394 : i32 to index
        %swap3A_396 = arith.constant 16 : index
        %swap3A_397 = tpu.vector_load %arg8[%swap3A_395, %swap3A_396] {strides = array<i32>} : memref<128x64xf32, #tpu.memory_space<vmem>>, vector<1x16xf32>,
        %swap3A_398 = vector.shape_cast %swap3A_397 : vector<1x16xf32> to vector<16xf32>
        %swap3A_399 = vector.shape_cast %get3A_390 : vector<16xf32> to vector<1x16xf32>
        tpu.vector_store %arg8[%swap3A_395, %swap3A_396], %swap3A_399 {strides = array<i32>} : memref<128x64xf32, #tpu.memory_space<vmem>>, vector<1x16xf32>,
        %mul3A_400 = arith.constant 8 : i32
        %mul3A_401 = arith.muli %scan3A_95, %mul3A_400 : i32
        %add3A_402 = arith.constant 4 : i32
        %add3A_403 = arith.addi %mul3A_401, %add3A_402 : i32
        %get3A_404 = arith.index_cast %add3A_403 : i32 to index
        %get3A_405 = arith.constant 32 : index
        %get3A_406 = tpu.vector_load %arg6[%get3A_404, %get3A_405] {strides = array<i32>} : memref<128x128xf32, #tpu.memory_space<vmem>>, vector<1x16xf32>,
        %get3A_407 = vector.shape_cast %get3A_406 : vector<1x16xf32> to vector<16xf32>
        %mul3A_408 = arith.constant 8 : i32
        %mul3A_409 = arith.muli %scan3A_95, %mul3A_408 : i32
        %add3A_410 = arith.constant 4 : i32
        %add3A_411 = arith.addi %mul3A_409, %add3A_410 : i32
        %swap3A_412 = arith.index_cast %add3A_411 : i32 to index
        %swap3A_413 = arith.constant 32 : index
        %swap3A_414 = tpu.vector_load %arg8[%swap3A_412, %swap3A_413] {strides = array<i32>} : memref<128x64xf32, #tpu.memory_space<vmem>>, vector<1x16xf32>,
        %swap3A_415 = vector.shape_cast %swap3A_414 : vector<1x16xf32> to vector<16xf32>
        %swap3A_416 = vector.shape_cast %get3A_407 : vector<16xf32> to vector<1x16xf32>
        tpu.vector_store %arg8[%swap3A_412, %swap3A_413], %swap3A_416 {strides = array<i32>} : memref<128x64xf32, #tpu.memory_space<vmem>>, vector<1x16xf32>,
        %mul3A_417 = arith.constant 8 : i32
        %mul3A_418 = arith.muli %scan3A_95, %mul3A_417 : i32
        %add3A_419 = arith.constant 4 : i32
        %add3A_420 = arith.addi %mul3A_418, %add3A_419 : i32
        %get3A_421 = arith.index_cast %add3A_420 : i32 to index
        %get3A_422 = arith.constant 48 : index
        %get3A_423 = tpu.vector_load %arg6[%get3A_421, %get3A_422] {strides = array<i32>} : memref<128x128xf32, #tpu.memory_space<vmem>>, vector<1x16xf32>,
        %get3A_424 = vector.shape_cast %get3A_423 : vector<1x16xf32> to vector<16xf32>
        %mul3A_425 = arith.constant 8 : i32
        %mul3A_426 = arith.muli %scan3A_95, %mul3A_425 : i32
        %add3A_427 = arith.constant 4 : i32
        %add3A_428 = arith.addi %mul3A_426, %add3A_427 : i32
        %swap3A_429 = arith.index_cast %add3A_428 : i32 to index
        %swap3A_430 = arith.constant 48 : index
        %swap3A_431 = tpu.vector_load %arg8[%swap3A_429, %swap3A_430] {strides = array<i32>} : memref<128x64xf32, #tpu.memory_space<vmem>>, vector<1x16xf32>,
        %swap3A_432 = vector.shape_cast %swap3A_431 : vector<1x16xf32> to vector<16xf32>
        %swap3A_433 = vector.shape_cast %get3A_424 : vector<16xf32> to vector<1x16xf32>
        tpu.vector_store %arg8[%swap3A_429, %swap3A_430], %swap3A_433 {strides = array<i32>} : memref<128x64xf32, #tpu.memory_space<vmem>>, vector<1x16xf32>,
        %mul3A_434 = arith.constant 8 : i32
        %mul3A_435 = arith.muli %scan3A_95, %mul3A_434 : i32
        %add3A_436 = arith.constant 5 : i32
        %add3A_437 = arith.addi %mul3A_435, %add3A_436 : i32
        %get3A_438 = arith.index_cast %add3A_437 : i32 to index
        %get3A_439 = arith.constant 0 : index
        %get3A_440 = tpu.vector_load %arg6[%get3A_438, %get3A_439] {strides = array<i32>} : memref<128x128xf32, #tpu.memory_space<vmem>>, vector<1x16xf32>,
        %get3A_441 = vector.shape_cast %get3A_440 : vector<1x16xf32> to vector<16xf32>
        %mul3A_442 = arith.constant 8 : i32
        %mul3A_443 = arith.muli %scan3A_95, %mul3A_442 : i32
        %add3A_444 = arith.constant 5 : i32
        %add3A_445 = arith.addi %mul3A_443, %add3A_444 : i32
        %swap3A_446 = arith.index_cast %add3A_445 : i32 to index
        %swap3A_447 = arith.constant 0 : index
        %swap3A_448 = tpu.vector_load %arg8[%swap3A_446, %swap3A_447] {strides = array<i32>} : memref<128x64xf32, #tpu.memory_space<vmem>>, vector<1x16xf32>,
        %swap3A_449 = vector.shape_cast %swap3A_448 : vector<1x16xf32> to vector<16xf32>
        %swap3A_450 = vector.shape_cast %get3A_441 : vector<16xf32> to vector<1x16xf32>
        tpu.vector_store %arg8[%swap3A_446, %swap3A_447], %swap3A_450 {strides = array<i32>} : memref<128x64xf32, #tpu.memory_space<vmem>>, vector<1x16xf32>,
        %mul3A_451 = arith.constant 8 : i32
        %mul3A_452 = arith.muli %scan3A_95, %mul3A_451 : i32
        %add3A_453 = arith.constant 5 : i32
        %add3A_454 = arith.addi %mul3A_452, %add3A_453 : i32
        %get3A_455 = arith.index_cast %add3A_454 : i32 to index
        %get3A_456 = arith.constant 16 : index
        %get3A_457 = tpu.vector_load %arg6[%get3A_455, %get3A_456] {strides = array<i32>} : memref<128x128xf32, #tpu.memory_space<vmem>>, vector<1x16xf32>,
        %get3A_458 = vector.shape_cast %get3A_457 : vector<1x16xf32> to vector<16xf32>
        %mul3A_459 = arith.constant 8 : i32
        %mul3A_460 = arith.muli %scan3A_95, %mul3A_459 : i32
        %add3A_461 = arith.constant 5 : i32
        %add3A_462 = arith.addi %mul3A_460, %add3A_461 : i32
        %swap3A_463 = arith.index_cast %add3A_462 : i32 to index
        %swap3A_464 = arith.constant 16 : index
        %swap3A_465 = tpu.vector_load %arg8[%swap3A_463, %swap3A_464] {strides = array<i32>} : memref<128x64xf32, #tpu.memory_space<vmem>>, vector<1x16xf32>,
        %swap3A_466 = vector.shape_cast %swap3A_465 : vector<1x16xf32> to vector<16xf32>
        %swap3A_467 = vector.shape_cast %get3A_458 : vector<16xf32> to vector<1x16xf32>
        tpu.vector_store %arg8[%swap3A_463, %swap3A_464], %swap3A_467 {strides = array<i32>} : memref<128x64xf32, #tpu.memory_space<vmem>>, vector<1x16xf32>,
        %mul3A_468 = arith.constant 8 : i32
        %mul3A_469 = arith.muli %scan3A_95, %mul3A_468 : i32
        %add3A_470 = arith.constant 5 : i32
        %add3A_471 = arith.addi %mul3A_469, %add3A_470 : i32
        %get3A_472 = arith.index_cast %add3A_471 : i32 to index
        %get3A_473 = arith.constant 32 : index
        %get3A_474 = tpu.vector_load %arg6[%get3A_472, %get3A_473] {strides = array<i32>} : memref<128x128xf32, #tpu.memory_space<vmem>>, vector<1x16xf32>,
        %get3A_475 = vector.shape_cast %get3A_474 : vector<1x16xf32> to vector<16xf32>
        %mul3A_476 = arith.constant 8 : i32
        %mul3A_477 = arith.muli %scan3A_95, %mul3A_476 : i32
        %add3A_478 = arith.constant 5 : i32
        %add3A_479 = arith.addi %mul3A_477, %add3A_478 : i32
        %swap3A_480 = arith.index_cast %add3A_479 : i32 to index
        %swap3A_481 = arith.constant 32 : index
        %swap3A_482 = tpu.vector_load %arg8[%swap3A_480, %swap3A_481] {strides = array<i32>} : memref<128x64xf32, #tpu.memory_space<vmem>>, vector<1x16xf32>,
        %swap3A_483 = vector.shape_cast %swap3A_482 : vector<1x16xf32> to vector<16xf32>
        %swap3A_484 = vector.shape_cast %get3A_475 : vector<16xf32> to vector<1x16xf32>
        tpu.vector_store %arg8[%swap3A_480, %swap3A_481], %swap3A_484 {strides = array<i32>} : memref<128x64xf32, #tpu.memory_space<vmem>>, vector<1x16xf32>,
        %mul3A_485 = arith.constant 8 : i32
        %mul3A_486 = arith.muli %scan3A_95, %mul3A_485 : i32
        %add3A_487 = arith.constant 5 : i32
        %add3A_488 = arith.addi %mul3A_486, %add3A_487 : i32
        %get3A_489 = arith.index_cast %add3A_488 : i32 to index
        %get3A_490 = arith.constant 48 : index
        %get3A_491 = tpu.vector_load %arg6[%get3A_489, %get3A_490] {strides = array<i32>} : memref<128x128xf32, #tpu.memory_space<vmem>>, vector<1x16xf32>,
        %get3A_492 = vector.shape_cast %get3A_491 : vector<1x16xf32> to vector<16xf32>
        %mul3A_493 = arith.constant 8 : i32
        %mul3A_494 = arith.muli %scan3A_95, %mul3A_493 : i32
        %add3A_495 = arith.constant 5 : i32
        %add3A_496 = arith.addi %mul3A_494, %add3A_495 : i32
        %swap3A_497 = arith.index_cast %add3A_496 : i32 to index
        %swap3A_498 = arith.constant 48 : index
        %swap3A_499 = tpu.vector_load %arg8[%swap3A_497, %swap3A_498] {strides = array<i32>} : memref<128x64xf32, #tpu.memory_space<vmem>>, vector<1x16xf32>,
        %swap3A_500 = vector.shape_cast %swap3A_499 : vector<1x16xf32> to vector<16xf32>
        %swap3A_501 = vector.shape_cast %get3A_492 : vector<16xf32> to vector<1x16xf32>
        tpu.vector_store %arg8[%swap3A_497, %swap3A_498], %swap3A_501 {strides = array<i32>} : memref<128x64xf32, #tpu.memory_space<vmem>>, vector<1x16xf32>,
        %mul3A_502 = arith.constant 8 : i32
        %mul3A_503 = arith.muli %scan3A_95, %mul3A_502 : i32
        %add3A_504 = arith.constant 6 : i32
        %add3A_505 = arith.addi %mul3A_503, %add3A_504 : i32
        %get3A_506 = arith.index_cast %add3A_505 : i32 to index
        %get3A_507 = arith.constant 0 : index
        %get3A_508 = tpu.vector_load %arg6[%get3A_506, %get3A_507] {strides = array<i32>} : memref<128x128xf32, #tpu.memory_space<vmem>>, vector<1x16xf32>,
        %get3A_509 = vector.shape_cast %get3A_508 : vector<1x16xf32> to vector<16xf32>
        %mul3A_510 = arith.constant 8 : i32
        %mul3A_511 = arith.muli %scan3A_95, %mul3A_510 : i32
        %add3A_512 = arith.constant 6 : i32
        %add3A_513 = arith.addi %mul3A_511, %add3A_512 : i32
        %swap3A_514 = arith.index_cast %add3A_513 : i32 to index
        %swap3A_515 = arith.constant 0 : index
        %swap3A_516 = tpu.vector_load %arg8[%swap3A_514, %swap3A_515] {strides = array<i32>} : memref<128x64xf32, #tpu.memory_space<vmem>>, vector<1x16xf32>,
        %swap3A_517 = vector.shape_cast %swap3A_516 : vector<1x16xf32> to vector<16xf32>
        %swap3A_518 = vector.shape_cast %get3A_509 : vector<16xf32> to vector<1x16xf32>
        tpu.vector_store %arg8[%swap3A_514, %swap3A_515], %swap3A_518 {strides = array<i32>} : memref<128x64xf32, #tpu.memory_space<vmem>>, vector<1x16xf32>,
        %mul3A_519 = arith.constant 8 : i32
        %mul3A_520 = arith.muli %scan3A_95, %mul3A_519 : i32
        %add3A_521 = arith.constant 6 : i32
        %add3A_522 = arith.addi %mul3A_520, %add3A_521 : i32
        %get3A_523 = arith.index_cast %add3A_522 : i32 to index
        %get3A_524 = arith.constant 16 : index
        %get3A_525 = tpu.vector_load %arg6[%get3A_523, %get3A_524] {strides = array<i32>} : memref<128x128xf32, #tpu.memory_space<vmem>>, vector<1x16xf32>,
        %get3A_526 = vector.shape_cast %get3A_525 : vector<1x16xf32> to vector<16xf32>
        %mul3A_527 = arith.constant 8 : i32
        %mul3A_528 = arith.muli %scan3A_95, %mul3A_527 : i32
        %add3A_529 = arith.constant 6 : i32
        %add3A_530 = arith.addi %mul3A_528, %add3A_529 : i32
        %swap3A_531 = arith.index_cast %add3A_530 : i32 to index
        %swap3A_532 = arith.constant 16 : index
        %swap3A_533 = tpu.vector_load %arg8[%swap3A_531, %swap3A_532] {strides = array<i32>} : memref<128x64xf32, #tpu.memory_space<vmem>>, vector<1x16xf32>,
        %swap3A_534 = vector.shape_cast %swap3A_533 : vector<1x16xf32> to vector<16xf32>
        %swap3A_535 = vector.shape_cast %get3A_526 : vector<16xf32> to vector<1x16xf32>
        tpu.vector_store %arg8[%swap3A_531, %swap3A_532], %swap3A_535 {strides = array<i32>} : memref<128x64xf32, #tpu.memory_space<vmem>>, vector<1x16xf32>,
        %mul3A_536 = arith.constant 8 : i32
        %mul3A_537 = arith.muli %scan3A_95, %mul3A_536 : i32
        %add3A_538 = arith.constant 6 : i32
        %add3A_539 = arith.addi %mul3A_537, %add3A_538 : i32
        %get3A_540 = arith.index_cast %add3A_539 : i32 to index
        %get3A_541 = arith.constant 32 : index
        %get3A_542 = tpu.vector_load %arg6[%get3A_540, %get3A_541] {strides = array<i32>} : memref<128x128xf32, #tpu.memory_space<vmem>>, vector<1x16xf32>,
        %get3A_543 = vector.shape_cast %get3A_542 : vector<1x16xf32> to vector<16xf32>
        %mul3A_544 = arith.constant 8 : i32
        %mul3A_545 = arith.muli %scan3A_95, %mul3A_544 : i32
        %add3A_546 = arith.constant 6 : i32
        %add3A_547 = arith.addi %mul3A_545, %add3A_546 : i32
        %swap3A_548 = arith.index_cast %add3A_547 : i32 to index
        %swap3A_549 = arith.constant 32 : index
        %swap3A_550 = tpu.vector_load %arg8[%swap3A_548, %swap3A_549] {strides = array<i32>} : memref<128x64xf32, #tpu.memory_space<vmem>>, vector<1x16xf32>,
        %swap3A_551 = vector.shape_cast %swap3A_550 : vector<1x16xf32> to vector<16xf32>
        %swap3A_552 = vector.shape_cast %get3A_543 : vector<16xf32> to vector<1x16xf32>
        tpu.vector_store %arg8[%swap3A_548, %swap3A_549], %swap3A_552 {strides = array<i32>} : memref<128x64xf32, #tpu.memory_space<vmem>>, vector<1x16xf32>,
        %mul3A_553 = arith.constant 8 : i32
        %mul3A_554 = arith.muli %scan3A_95, %mul3A_553 : i32
        %add3A_555 = arith.constant 6 : i32
        %add3A_556 = arith.addi %mul3A_554, %add3A_555 : i32
        %get3A_557 = arith.index_cast %add3A_556 : i32 to index
        %get3A_558 = arith.constant 48 : index
        %get3A_559 = tpu.vector_load %arg6[%get3A_557, %get3A_558] {strides = array<i32>} : memref<128x128xf32, #tpu.memory_space<vmem>>, vector<1x16xf32>,
        %get3A_560 = vector.shape_cast %get3A_559 : vector<1x16xf32> to vector<16xf32>
        %mul3A_561 = arith.constant 8 : i32
        %mul3A_562 = arith.muli %scan3A_95, %mul3A_561 : i32
        %add3A_563 = arith.constant 6 : i32
        %add3A_564 = arith.addi %mul3A_562, %add3A_563 : i32
        %swap3A_565 = arith.index_cast %add3A_564 : i32 to index
        %swap3A_566 = arith.constant 48 : index
        %swap3A_567 = tpu.vector_load %arg8[%swap3A_565, %swap3A_566] {strides = array<i32>} : memref<128x64xf32, #tpu.memory_space<vmem>>, vector<1x16xf32>,
        %swap3A_568 = vector.shape_cast %swap3A_567 : vector<1x16xf32> to vector<16xf32>
        %swap3A_569 = vector.shape_cast %get3A_560 : vector<16xf32> to vector<1x16xf32>
        tpu.vector_store %arg8[%swap3A_565, %swap3A_566], %swap3A_569 {strides = array<i32>} : memref<128x64xf32, #tpu.memory_space<vmem>>, vector<1x16xf32>,
        %mul3A_570 = arith.constant 8 : i32
        %mul3A_571 = arith.muli %scan3A_95, %mul3A_570 : i32
        %add3A_572 = arith.constant 7 : i32
        %add3A_573 = arith.addi %mul3A_571, %add3A_572 : i32
        %get3A_574 = arith.index_cast %add3A_573 : i32 to index
        %get3A_575 = arith.constant 0 : index
        %get3A_576 = tpu.vector_load %arg6[%get3A_574, %get3A_575] {strides = array<i32>} : memref<128x128xf32, #tpu.memory_space<vmem>>, vector<1x16xf32>,
        %get3A_577 = vector.shape_cast %get3A_576 : vector<1x16xf32> to vector<16xf32>
        %mul3A_578 = arith.constant 8 : i32
        %mul3A_579 = arith.muli %scan3A_95, %mul3A_578 : i32
        %add3A_580 = arith.constant 7 : i32
        %add3A_581 = arith.addi %mul3A_579, %add3A_580 : i32
        %swap3A_582 = arith.index_cast %add3A_581 : i32 to index
        %swap3A_583 = arith.constant 0 : index
        %swap3A_584 = tpu.vector_load %arg8[%swap3A_582, %swap3A_583] {strides = array<i32>} : memref<128x64xf32, #tpu.memory_space<vmem>>, vector<1x16xf32>,
        %swap3A_585 = vector.shape_cast %swap3A_584 : vector<1x16xf32> to vector<16xf32>
        %swap3A_586 = vector.shape_cast %get3A_577 : vector<16xf32> to vector<1x16xf32>
        tpu.vector_store %arg8[%swap3A_582, %swap3A_583], %swap3A_586 {strides = array<i32>} : memref<128x64xf32, #tpu.memory_space<vmem>>, vector<1x16xf32>,
        %mul3A_587 = arith.constant 8 : i32
        %mul3A_588 = arith.muli %scan3A_95, %mul3A_587 : i32
        %add3A_589 = arith.constant 7 : i32
        %add3A_590 = arith.addi %mul3A_588, %add3A_589 : i32
        %get3A_591 = arith.index_cast %add3A_590 : i32 to index
        %get3A_592 = arith.constant 16 : index
        %get3A_593 = tpu.vector_load %arg6[%get3A_591, %get3A_592] {strides = array<i32>} : memref<128x128xf32, #tpu.memory_space<vmem>>, vector<1x16xf32>,
        %get3A_594 = vector.shape_cast %get3A_593 : vector<1x16xf32> to vector<16xf32>
        %mul3A_595 = arith.constant 8 : i32
        %mul3A_596 = arith.muli %scan3A_95, %mul3A_595 : i32
        %add3A_597 = arith.constant 7 : i32
        %add3A_598 = arith.addi %mul3A_596, %add3A_597 : i32
        %swap3A_599 = arith.index_cast %add3A_598 : i32 to index
        %swap3A_600 = arith.constant 16 : index
        %swap3A_601 = tpu.vector_load %arg8[%swap3A_599, %swap3A_600] {strides = array<i32>} : memref<128x64xf32, #tpu.memory_space<vmem>>, vector<1x16xf32>,
        %swap3A_602 = vector.shape_cast %swap3A_601 : vector<1x16xf32> to vector<16xf32>
        %swap3A_603 = vector.shape_cast %get3A_594 : vector<16xf32> to vector<1x16xf32>
        tpu.vector_store %arg8[%swap3A_599, %swap3A_600], %swap3A_603 {strides = array<i32>} : memref<128x64xf32, #tpu.memory_space<vmem>>, vector<1x16xf32>,
        %mul3A_604 = arith.constant 8 : i32
        %mul3A_605 = arith.muli %scan3A_95, %mul3A_604 : i32
        %add3A_606 = arith.constant 7 : i32
        %add3A_607 = arith.addi %mul3A_605, %add3A_606 : i32
        %get3A_608 = arith.index_cast %add3A_607 : i32 to index
        %get3A_609 = arith.constant 32 : index
        %get3A_610 = tpu.vector_load %arg6[%get3A_608, %get3A_609] {strides = array<i32>} : memref<128x128xf32, #tpu.memory_space<vmem>>, vector<1x16xf32>,
        %get3A_611 = vector.shape_cast %get3A_610 : vector<1x16xf32> to vector<16xf32>
        %mul3A_612 = arith.constant 8 : i32
        %mul3A_613 = arith.muli %scan3A_95, %mul3A_612 : i32
        %add3A_614 = arith.constant 7 : i32
        %add3A_615 = arith.addi %mul3A_613, %add3A_614 : i32
        %swap3A_616 = arith.index_cast %add3A_615 : i32 to index
        %swap3A_617 = arith.constant 32 : index
        %swap3A_618 = tpu.vector_load %arg8[%swap3A_616, %swap3A_617] {strides = array<i32>} : memref<128x64xf32, #tpu.memory_space<vmem>>, vector<1x16xf32>,
        %swap3A_619 = vector.shape_cast %swap3A_618 : vector<1x16xf32> to vector<16xf32>
        %swap3A_620 = vector.shape_cast %get3A_611 : vector<16xf32> to vector<1x16xf32>
        tpu.vector_store %arg8[%swap3A_616, %swap3A_617], %swap3A_620 {strides = array<i32>} : memref<128x64xf32, #tpu.memory_space<vmem>>, vector<1x16xf32>,
        %mul3A_621 = arith.constant 8 : i32
        %mul3A_622 = arith.muli %scan3A_95, %mul3A_621 : i32
        %add3A_623 = arith.constant 7 : i32
        %add3A_624 = arith.addi %mul3A_622, %add3A_623 : i32
        %get3A_625 = arith.index_cast %add3A_624 : i32 to index
        %get3A_626 = arith.constant 48 : index
        %get3A_627 = tpu.vector_load %arg6[%get3A_625, %get3A_626] {strides = array<i32>} : memref<128x128xf32, #tpu.memory_space<vmem>>, vector<1x16xf32>,
        %get3A_628 = vector.shape_cast %get3A_627 : vector<1x16xf32> to vector<16xf32>
        %mul3A_629 = arith.constant 8 : i32
        %mul3A_630 = arith.muli %scan3A_95, %mul3A_629 : i32
        %add3A_631 = arith.constant 7 : i32
        %add3A_632 = arith.addi %mul3A_630, %add3A_631 : i32
        %swap3A_633 = arith.index_cast %add3A_632 : i32 to index
        %swap3A_634 = arith.constant 48 : index
        %swap3A_635 = tpu.vector_load %arg8[%swap3A_633, %swap3A_634] {strides = array<i32>} : memref<128x64xf32, #tpu.memory_space<vmem>>, vector<1x16xf32>,
        %swap3A_636 = vector.shape_cast %swap3A_635 : vector<1x16xf32> to vector<16xf32>
        %swap3A_637 = vector.shape_cast %get3A_628 : vector<16xf32> to vector<1x16xf32>
        tpu.vector_store %arg8[%swap3A_633, %swap3A_634], %swap3A_637 {strides = array<i32>} : memref<128x64xf32, #tpu.memory_space<vmem>>, vector<1x16xf32>,
      }
      %scan3A_46 = arith.constant 16 : i32
      %mul3A_47 = arith.constant 128 : i32
      %mul3A_48 = arith.muli %add3A_32, %mul3A_47 : i32
      %add3A_49 = arith.addi %mul3A_2, %mul3A_48 : i32
      %dma_start3A_50 = arith.constant 0 : i32
      %dma_start3A_51 = tpu.memref_slice %arg4[%add3A_49, %dma_start3A_50] : memref<819200x64xf32, #tpu.memory_space<hbm>> -> memref<128x64xf32, #tpu.memory_space<hbm>>
      %dma_start3A_52 = arith.constant 0 : i32
      %dma_start3A_53 = tpu.memref_slice %arg4[%add3A_49, %dma_start3A_52] : memref<819200x64xf32, #tpu.memory_space<hbm>> -> memref<128x64xf32, #tpu.memory_space<hbm>>
      tpu.enqueue_dma source(%arg8 : memref<128x64xf32, #tpu.memory_space<vmem>>) target(%dma_start3A_53 : memref<128x64xf32, #tpu.memory_space<hbm>>) target_semaphore(%arg12 : memref<!tpu.dma_semaphore, #tpu.memory_space<semaphore_mem>>)
      %add3A_54 = arith.constant 2 : i32
      %add3A_55 = arith.addi %add3A_32, %add3A_54 : i32
      %lt3A = arith.constant 200 : i32
      %lt3A_56 = arith.cmpi slt, %add3A_55, %lt3A : i32
      %convert_element_type3A_57 = arith.extui %lt3A_56 : i1 to i32
      %cond3A_58 = arith.constant 0 : i32
      %cond3A_59 = arith.cmpi ne, %convert_element_type3A_57, %cond3A_58 : i32
      scf.if %cond3A_59 {
        %add3A_95 = arith.constant 2 : i32
        %add3A_96 = arith.addi %add3A_32, %add3A_95 : i32
        %mul3A_97 = arith.constant 128 : i32
        %mul3A_98 = arith.muli %add3A_96, %mul3A_97 : i32
        %dma_start3A_99 = tpu.memref_slice %arg5[%mul3A_98] : memref<25600xi32, #tpu.memory_space<vmem>> -> memref<128xi32, #tpu.memory_space<vmem>>
        %dma_start3A_100 = arith.constant 0 : i32
        %dma_start3A_101 = arith.constant 0 : i32
        %dma_start3A_102 = tpu.memref_slice %arg2[%dma_start3A_100, %dma_start3A_101] : memref<39973x128xf32, #tpu.memory_space<hbm>> -> memref<39973x128xf32, #tpu.memory_space<hbm>>
        tpu.enqueue_indirect_dma source(%dma_start3A_102 : memref<39973x128xf32, #tpu.memory_space<hbm>>) target(%arg6 : memref<128x128xf32, #tpu.memory_space<vmem>>) offsets(%dma_start3A_99 : memref<128xi32, #tpu.memory_space<vmem>>) semaphore(%arg10 : memref<!tpu.dma_semaphore, #tpu.memory_space<semaphore_mem>>)
      } else {
      }
      %mul3A_60 = arith.constant 2 : i32
      %mul3A_61 = arith.muli %mul3A_60, %scan3A_28 : i32
      %add3A_62 = arith.constant 1 : i32
      %add3A_63 = arith.addi %mul3A_61, %add3A_62 : i32
      %mul3A_64 = arith.constant 128 : i32
      %mul3A_65 = arith.muli %add3A_63, %mul3A_64 : i32
      %dma_wait3A_66 = tpu.memref_slice %arg5[%mul3A_65] : memref<25600xi32, #tpu.memory_space<vmem>> -> memref<128xi32, #tpu.memory_space<vmem>>
      %dma_wait3A_67 = arith.constant 0 : i32
      %dma_wait3A_68 = arith.constant 0 : i32
      %dma_wait3A_69 = tpu.memref_slice %arg2[%dma_wait3A_67, %dma_wait3A_68] : memref<39973x128xf32, #tpu.memory_space<hbm>> -> memref<39973x128xf32, #tpu.memory_space<hbm>>
      tpu.wait_indirect_dma semaphore(%arg11 : memref<!tpu.dma_semaphore, #tpu.memory_space<semaphore_mem>>) src(%dma_wait3A_69 : memref<39973x128xf32, #tpu.memory_space<hbm>>) dst(%arg7 : memref<128x128xf32, #tpu.memory_space<vmem>>)
      %gt3A_70 = arith.constant 0 : i32
      %gt3A_71 = arith.cmpi sgt, %scan3A_28, %gt3A_70 : i32
      %convert_element_type3A_72 = arith.extui %gt3A_71 : i1 to i32
      %cond3A_73 = arith.constant 0 : i32
      %cond3A_74 = arith.cmpi ne, %convert_element_type3A_72, %cond3A_73 : i32
      scf.if %cond3A_74 {
        %sub3A = arith.constant 2 : i32
        %sub3A_95 = arith.subi %add3A_63, %sub3A : i32
        %mul3A_96 = arith.constant 128 : i32
        %mul3A_97 = arith.muli %sub3A_95, %mul3A_96 : i32
        %add3A_98 = arith.addi %mul3A_2, %mul3A_97 : i32
        %dma_wait3A_99 = arith.constant 0 : i32
        %dma_wait3A_100 = tpu.memref_slice %arg4[%add3A_98, %dma_wait3A_99] : memref<819200x64xf32, #tpu.memory_space<hbm>> -> memref<128x64xf32, #tpu.memory_space<hbm>>
        %dma_wait3A_101 = arith.constant 0 : i32
        %dma_wait3A_102 = tpu.memref_slice %arg4[%add3A_98, %dma_wait3A_101] : memref<819200x64xf32, #tpu.memory_space<hbm>> -> memref<128x64xf32, #tpu.memory_space<hbm>>
        tpu.wait_dma2 semaphore(%arg13 : memref<!tpu.dma_semaphore, #tpu.memory_space<semaphore_mem>>) src(%arg9 : memref<128x64xf32, #tpu.memory_space<vmem>>) dst(%dma_wait3A_102 : memref<128x64xf32, #tpu.memory_space<hbm>>)
      } else {
      }
      %scan3A_75 = arith.constant 0 : i32
      %scan3A_76 = arith.constant 0 : i32
      %scan3A_77 = arith.constant 16 : i32
      %scan3A_78 = arith.addi %scan3A_76, %scan3A_77 : i32
      %scan3A_79 = arith.constant 1 : i32
      scf.for %scan3A_95 = %scan3A_76 to %scan3A_78 step %scan3A_79  : i32 {
        %mul3A_96 = arith.constant 8 : i32
        %mul3A_97 = arith.muli %scan3A_95, %mul3A_96 : i32
        %add3A_98 = arith.constant 0 : i32
        %add3A_99 = arith.addi %mul3A_97, %add3A_98 : i32
        %get3A = arith.index_cast %add3A_99 : i32 to index
        %get3A_100 = arith.constant 0 : index
        %get3A_101 = tpu.vector_load %arg7[%get3A, %get3A_100] {strides = array<i32>} : memref<128x128xf32, #tpu.memory_space<vmem>>, vector<1x16xf32>,
        %get3A_102 = vector.shape_cast %get3A_101 : vector<1x16xf32> to vector<16xf32>
        %mul3A_103 = arith.constant 8 : i32
        %mul3A_104 = arith.muli %scan3A_95, %mul3A_103 : i32
        %add3A_105 = arith.constant 0 : i32
        %add3A_106 = arith.addi %mul3A_104, %add3A_105 : i32
        %swap3A = arith.index_cast %add3A_106 : i32 to index
        %swap3A_107 = arith.constant 0 : index
        %swap3A_108 = tpu.vector_load %arg9[%swap3A, %swap3A_107] {strides = array<i32>} : memref<128x64xf32, #tpu.memory_space<vmem>>, vector<1x16xf32>,
        %swap3A_109 = vector.shape_cast %swap3A_108 : vector<1x16xf32> to vector<16xf32>
        %swap3A_110 = vector.shape_cast %get3A_102 : vector<16xf32> to vector<1x16xf32>
        tpu.vector_store %arg9[%swap3A, %swap3A_107], %swap3A_110 {strides = array<i32>} : memref<128x64xf32, #tpu.memory_space<vmem>>, vector<1x16xf32>,
        %mul3A_111 = arith.constant 8 : i32
        %mul3A_112 = arith.muli %scan3A_95, %mul3A_111 : i32
        %add3A_113 = arith.constant 0 : i32
        %add3A_114 = arith.addi %mul3A_112, %add3A_113 : i32
        %get3A_115 = arith.index_cast %add3A_114 : i32 to index
        %get3A_116 = arith.constant 16 : index
        %get3A_117 = tpu.vector_load %arg7[%get3A_115, %get3A_116] {strides = array<i32>} : memref<128x128xf32, #tpu.memory_space<vmem>>, vector<1x16xf32>,
        %get3A_118 = vector.shape_cast %get3A_117 : vector<1x16xf32> to vector<16xf32>
        %mul3A_119 = arith.constant 8 : i32
        %mul3A_120 = arith.muli %scan3A_95, %mul3A_119 : i32
        %add3A_121 = arith.constant 0 : i32
        %add3A_122 = arith.addi %mul3A_120, %add3A_121 : i32
        %swap3A_123 = arith.index_cast %add3A_122 : i32 to index
        %swap3A_124 = arith.constant 16 : index
        %swap3A_125 = tpu.vector_load %arg9[%swap3A_123, %swap3A_124] {strides = array<i32>} : memref<128x64xf32, #tpu.memory_space<vmem>>, vector<1x16xf32>,
        %swap3A_126 = vector.shape_cast %swap3A_125 : vector<1x16xf32> to vector<16xf32>
        %swap3A_127 = vector.shape_cast %get3A_118 : vector<16xf32> to vector<1x16xf32>
        tpu.vector_store %arg9[%swap3A_123, %swap3A_124], %swap3A_127 {strides = array<i32>} : memref<128x64xf32, #tpu.memory_space<vmem>>, vector<1x16xf32>,
        %mul3A_128 = arith.constant 8 : i32
        %mul3A_129 = arith.muli %scan3A_95, %mul3A_128 : i32
        %add3A_130 = arith.constant 0 : i32
        %add3A_131 = arith.addi %mul3A_129, %add3A_130 : i32
        %get3A_132 = arith.index_cast %add3A_131 : i32 to index
        %get3A_133 = arith.constant 32 : index
        %get3A_134 = tpu.vector_load %arg7[%get3A_132, %get3A_133] {strides = array<i32>} : memref<128x128xf32, #tpu.memory_space<vmem>>, vector<1x16xf32>,
        %get3A_135 = vector.shape_cast %get3A_134 : vector<1x16xf32> to vector<16xf32>
        %mul3A_136 = arith.constant 8 : i32
        %mul3A_137 = arith.muli %scan3A_95, %mul3A_136 : i32
        %add3A_138 = arith.constant 0 : i32
        %add3A_139 = arith.addi %mul3A_137, %add3A_138 : i32
        %swap3A_140 = arith.index_cast %add3A_139 : i32 to index
        %swap3A_141 = arith.constant 32 : index
        %swap3A_142 = tpu.vector_load %arg9[%swap3A_140, %swap3A_141] {strides = array<i32>} : memref<128x64xf32, #tpu.memory_space<vmem>>, vector<1x16xf32>,
        %swap3A_143 = vector.shape_cast %swap3A_142 : vector<1x16xf32> to vector<16xf32>
        %swap3A_144 = vector.shape_cast %get3A_135 : vector<16xf32> to vector<1x16xf32>
        tpu.vector_store %arg9[%swap3A_140, %swap3A_141], %swap3A_144 {strides = array<i32>} : memref<128x64xf32, #tpu.memory_space<vmem>>, vector<1x16xf32>,
        %mul3A_145 = arith.constant 8 : i32
        %mul3A_146 = arith.muli %scan3A_95, %mul3A_145 : i32
        %add3A_147 = arith.constant 0 : i32
        %add3A_148 = arith.addi %mul3A_146, %add3A_147 : i32
        %get3A_149 = arith.index_cast %add3A_148 : i32 to index
        %get3A_150 = arith.constant 48 : index
        %get3A_151 = tpu.vector_load %arg7[%get3A_149, %get3A_150] {strides = array<i32>} : memref<128x128xf32, #tpu.memory_space<vmem>>, vector<1x16xf32>,
        %get3A_152 = vector.shape_cast %get3A_151 : vector<1x16xf32> to vector<16xf32>
        %mul3A_153 = arith.constant 8 : i32
        %mul3A_154 = arith.muli %scan3A_95, %mul3A_153 : i32
        %add3A_155 = arith.constant 0 : i32
        %add3A_156 = arith.addi %mul3A_154, %add3A_155 : i32
        %swap3A_157 = arith.index_cast %add3A_156 : i32 to index
        %swap3A_158 = arith.constant 48 : index
        %swap3A_159 = tpu.vector_load %arg9[%swap3A_157, %swap3A_158] {strides = array<i32>} : memref<128x64xf32, #tpu.memory_space<vmem>>, vector<1x16xf32>,
        %swap3A_160 = vector.shape_cast %swap3A_159 : vector<1x16xf32> to vector<16xf32>
        %swap3A_161 = vector.shape_cast %get3A_152 : vector<16xf32> to vector<1x16xf32>
        tpu.vector_store %arg9[%swap3A_157, %swap3A_158], %swap3A_161 {strides = array<i32>} : memref<128x64xf32, #tpu.memory_space<vmem>>, vector<1x16xf32>,
        %mul3A_162 = arith.constant 8 : i32
        %mul3A_163 = arith.muli %scan3A_95, %mul3A_162 : i32
        %add3A_164 = arith.constant 1 : i32
        %add3A_165 = arith.addi %mul3A_163, %add3A_164 : i32
        %get3A_166 = arith.index_cast %add3A_165 : i32 to index
        %get3A_167 = arith.constant 0 : index
        %get3A_168 = tpu.vector_load %arg7[%get3A_166, %get3A_167] {strides = array<i32>} : memref<128x128xf32, #tpu.memory_space<vmem>>, vector<1x16xf32>,
        %get3A_169 = vector.shape_cast %get3A_168 : vector<1x16xf32> to vector<16xf32>
        %mul3A_170 = arith.constant 8 : i32
        %mul3A_171 = arith.muli %scan3A_95, %mul3A_170 : i32
        %add3A_172 = arith.constant 1 : i32
        %add3A_173 = arith.addi %mul3A_171, %add3A_172 : i32
        %swap3A_174 = arith.index_cast %add3A_173 : i32 to index
        %swap3A_175 = arith.constant 0 : index
        %swap3A_176 = tpu.vector_load %arg9[%swap3A_174, %swap3A_175] {strides = array<i32>} : memref<128x64xf32, #tpu.memory_space<vmem>>, vector<1x16xf32>,
        %swap3A_177 = vector.shape_cast %swap3A_176 : vector<1x16xf32> to vector<16xf32>
        %swap3A_178 = vector.shape_cast %get3A_169 : vector<16xf32> to vector<1x16xf32>
        tpu.vector_store %arg9[%swap3A_174, %swap3A_175], %swap3A_178 {strides = array<i32>} : memref<128x64xf32, #tpu.memory_space<vmem>>, vector<1x16xf32>,
        %mul3A_179 = arith.constant 8 : i32
        %mul3A_180 = arith.muli %scan3A_95, %mul3A_179 : i32
        %add3A_181 = arith.constant 1 : i32
        %add3A_182 = arith.addi %mul3A_180, %add3A_181 : i32
        %get3A_183 = arith.index_cast %add3A_182 : i32 to index
        %get3A_184 = arith.constant 16 : index
        %get3A_185 = tpu.vector_load %arg7[%get3A_183, %get3A_184] {strides = array<i32>} : memref<128x128xf32, #tpu.memory_space<vmem>>, vector<1x16xf32>,
        %get3A_186 = vector.shape_cast %get3A_185 : vector<1x16xf32> to vector<16xf32>
        %mul3A_187 = arith.constant 8 : i32
        %mul3A_188 = arith.muli %scan3A_95, %mul3A_187 : i32
        %add3A_189 = arith.constant 1 : i32
        %add3A_190 = arith.addi %mul3A_188, %add3A_189 : i32
        %swap3A_191 = arith.index_cast %add3A_190 : i32 to index
        %swap3A_192 = arith.constant 16 : index
        %swap3A_193 = tpu.vector_load %arg9[%swap3A_191, %swap3A_192] {strides = array<i32>} : memref<128x64xf32, #tpu.memory_space<vmem>>, vector<1x16xf32>,
        %swap3A_194 = vector.shape_cast %swap3A_193 : vector<1x16xf32> to vector<16xf32>
        %swap3A_195 = vector.shape_cast %get3A_186 : vector<16xf32> to vector<1x16xf32>
        tpu.vector_store %arg9[%swap3A_191, %swap3A_192], %swap3A_195 {strides = array<i32>} : memref<128x64xf32, #tpu.memory_space<vmem>>, vector<1x16xf32>,
        %mul3A_196 = arith.constant 8 : i32
        %mul3A_197 = arith.muli %scan3A_95, %mul3A_196 : i32
        %add3A_198 = arith.constant 1 : i32
        %add3A_199 = arith.addi %mul3A_197, %add3A_198 : i32
        %get3A_200 = arith.index_cast %add3A_199 : i32 to index
        %get3A_201 = arith.constant 32 : index
        %get3A_202 = tpu.vector_load %arg7[%get3A_200, %get3A_201] {strides = array<i32>} : memref<128x128xf32, #tpu.memory_space<vmem>>, vector<1x16xf32>,
        %get3A_203 = vector.shape_cast %get3A_202 : vector<1x16xf32> to vector<16xf32>
        %mul3A_204 = arith.constant 8 : i32
        %mul3A_205 = arith.muli %scan3A_95, %mul3A_204 : i32
        %add3A_206 = arith.constant 1 : i32
        %add3A_207 = arith.addi %mul3A_205, %add3A_206 : i32
        %swap3A_208 = arith.index_cast %add3A_207 : i32 to index
        %swap3A_209 = arith.constant 32 : index
        %swap3A_210 = tpu.vector_load %arg9[%swap3A_208, %swap3A_209] {strides = array<i32>} : memref<128x64xf32, #tpu.memory_space<vmem>>, vector<1x16xf32>,
        %swap3A_211 = vector.shape_cast %swap3A_210 : vector<1x16xf32> to vector<16xf32>
        %swap3A_212 = vector.shape_cast %get3A_203 : vector<16xf32> to vector<1x16xf32>
        tpu.vector_store %arg9[%swap3A_208, %swap3A_209], %swap3A_212 {strides = array<i32>} : memref<128x64xf32, #tpu.memory_space<vmem>>, vector<1x16xf32>,
        %mul3A_213 = arith.constant 8 : i32
        %mul3A_214 = arith.muli %scan3A_95, %mul3A_213 : i32
        %add3A_215 = arith.constant 1 : i32
        %add3A_216 = arith.addi %mul3A_214, %add3A_215 : i32
        %get3A_217 = arith.index_cast %add3A_216 : i32 to index
        %get3A_218 = arith.constant 48 : index
        %get3A_219 = tpu.vector_load %arg7[%get3A_217, %get3A_218] {strides = array<i32>} : memref<128x128xf32, #tpu.memory_space<vmem>>, vector<1x16xf32>,
        %get3A_220 = vector.shape_cast %get3A_219 : vector<1x16xf32> to vector<16xf32>
        %mul3A_221 = arith.constant 8 : i32
        %mul3A_222 = arith.muli %scan3A_95, %mul3A_221 : i32
        %add3A_223 = arith.constant 1 : i32
        %add3A_224 = arith.addi %mul3A_222, %add3A_223 : i32
        %swap3A_225 = arith.index_cast %add3A_224 : i32 to index
        %swap3A_226 = arith.constant 48 : index
        %swap3A_227 = tpu.vector_load %arg9[%swap3A_225, %swap3A_226] {strides = array<i32>} : memref<128x64xf32, #tpu.memory_space<vmem>>, vector<1x16xf32>,
        %swap3A_228 = vector.shape_cast %swap3A_227 : vector<1x16xf32> to vector<16xf32>
        %swap3A_229 = vector.shape_cast %get3A_220 : vector<16xf32> to vector<1x16xf32>
        tpu.vector_store %arg9[%swap3A_225, %swap3A_226], %swap3A_229 {strides = array<i32>} : memref<128x64xf32, #tpu.memory_space<vmem>>, vector<1x16xf32>,
        %mul3A_230 = arith.constant 8 : i32
        %mul3A_231 = arith.muli %scan3A_95, %mul3A_230 : i32
        %add3A_232 = arith.constant 2 : i32
        %add3A_233 = arith.addi %mul3A_231, %add3A_232 : i32
        %get3A_234 = arith.index_cast %add3A_233 : i32 to index
        %get3A_235 = arith.constant 0 : index
        %get3A_236 = tpu.vector_load %arg7[%get3A_234, %get3A_235] {strides = array<i32>} : memref<128x128xf32, #tpu.memory_space<vmem>>, vector<1x16xf32>,
        %get3A_237 = vector.shape_cast %get3A_236 : vector<1x16xf32> to vector<16xf32>
        %mul3A_238 = arith.constant 8 : i32
        %mul3A_239 = arith.muli %scan3A_95, %mul3A_238 : i32
        %add3A_240 = arith.constant 2 : i32
        %add3A_241 = arith.addi %mul3A_239, %add3A_240 : i32
        %swap3A_242 = arith.index_cast %add3A_241 : i32 to index
        %swap3A_243 = arith.constant 0 : index
        %swap3A_244 = tpu.vector_load %arg9[%swap3A_242, %swap3A_243] {strides = array<i32>} : memref<128x64xf32, #tpu.memory_space<vmem>>, vector<1x16xf32>,
        %swap3A_245 = vector.shape_cast %swap3A_244 : vector<1x16xf32> to vector<16xf32>
        %swap3A_246 = vector.shape_cast %get3A_237 : vector<16xf32> to vector<1x16xf32>
        tpu.vector_store %arg9[%swap3A_242, %swap3A_243], %swap3A_246 {strides = array<i32>} : memref<128x64xf32, #tpu.memory_space<vmem>>, vector<1x16xf32>,
        %mul3A_247 = arith.constant 8 : i32
        %mul3A_248 = arith.muli %scan3A_95, %mul3A_247 : i32
        %add3A_249 = arith.constant 2 : i32
        %add3A_250 = arith.addi %mul3A_248, %add3A_249 : i32
        %get3A_251 = arith.index_cast %add3A_250 : i32 to index
        %get3A_252 = arith.constant 16 : index
        %get3A_253 = tpu.vector_load %arg7[%get3A_251, %get3A_252] {strides = array<i32>} : memref<128x128xf32, #tpu.memory_space<vmem>>, vector<1x16xf32>,
        %get3A_254 = vector.shape_cast %get3A_253 : vector<1x16xf32> to vector<16xf32>
        %mul3A_255 = arith.constant 8 : i32
        %mul3A_256 = arith.muli %scan3A_95, %mul3A_255 : i32
        %add3A_257 = arith.constant 2 : i32
        %add3A_258 = arith.addi %mul3A_256, %add3A_257 : i32
        %swap3A_259 = arith.index_cast %add3A_258 : i32 to index
        %swap3A_260 = arith.constant 16 : index
        %swap3A_261 = tpu.vector_load %arg9[%swap3A_259, %swap3A_260] {strides = array<i32>} : memref<128x64xf32, #tpu.memory_space<vmem>>, vector<1x16xf32>,
        %swap3A_262 = vector.shape_cast %swap3A_261 : vector<1x16xf32> to vector<16xf32>
        %swap3A_263 = vector.shape_cast %get3A_254 : vector<16xf32> to vector<1x16xf32>
        tpu.vector_store %arg9[%swap3A_259, %swap3A_260], %swap3A_263 {strides = array<i32>} : memref<128x64xf32, #tpu.memory_space<vmem>>, vector<1x16xf32>,
        %mul3A_264 = arith.constant 8 : i32
        %mul3A_265 = arith.muli %scan3A_95, %mul3A_264 : i32
        %add3A_266 = arith.constant 2 : i32
        %add3A_267 = arith.addi %mul3A_265, %add3A_266 : i32
        %get3A_268 = arith.index_cast %add3A_267 : i32 to index
        %get3A_269 = arith.constant 32 : index
        %get3A_270 = tpu.vector_load %arg7[%get3A_268, %get3A_269] {strides = array<i32>} : memref<128x128xf32, #tpu.memory_space<vmem>>, vector<1x16xf32>,
        %get3A_271 = vector.shape_cast %get3A_270 : vector<1x16xf32> to vector<16xf32>
        %mul3A_272 = arith.constant 8 : i32
        %mul3A_273 = arith.muli %scan3A_95, %mul3A_272 : i32
        %add3A_274 = arith.constant 2 : i32
        %add3A_275 = arith.addi %mul3A_273, %add3A_274 : i32
        %swap3A_276 = arith.index_cast %add3A_275 : i32 to index
        %swap3A_277 = arith.constant 32 : index
        %swap3A_278 = tpu.vector_load %arg9[%swap3A_276, %swap3A_277] {strides = array<i32>} : memref<128x64xf32, #tpu.memory_space<vmem>>, vector<1x16xf32>,
        %swap3A_279 = vector.shape_cast %swap3A_278 : vector<1x16xf32> to vector<16xf32>
        %swap3A_280 = vector.shape_cast %get3A_271 : vector<16xf32> to vector<1x16xf32>
        tpu.vector_store %arg9[%swap3A_276, %swap3A_277], %swap3A_280 {strides = array<i32>} : memref<128x64xf32, #tpu.memory_space<vmem>>, vector<1x16xf32>,
        %mul3A_281 = arith.constant 8 : i32
        %mul3A_282 = arith.muli %scan3A_95, %mul3A_281 : i32
        %add3A_283 = arith.constant 2 : i32
        %add3A_284 = arith.addi %mul3A_282, %add3A_283 : i32
        %get3A_285 = arith.index_cast %add3A_284 : i32 to index
        %get3A_286 = arith.constant 48 : index
        %get3A_287 = tpu.vector_load %arg7[%get3A_285, %get3A_286] {strides = array<i32>} : memref<128x128xf32, #tpu.memory_space<vmem>>, vector<1x16xf32>,
        %get3A_288 = vector.shape_cast %get3A_287 : vector<1x16xf32> to vector<16xf32>
        %mul3A_289 = arith.constant 8 : i32
        %mul3A_290 = arith.muli %scan3A_95, %mul3A_289 : i32
        %add3A_291 = arith.constant 2 : i32
        %add3A_292 = arith.addi %mul3A_290, %add3A_291 : i32
        %swap3A_293 = arith.index_cast %add3A_292 : i32 to index
        %swap3A_294 = arith.constant 48 : index
        %swap3A_295 = tpu.vector_load %arg9[%swap3A_293, %swap3A_294] {strides = array<i32>} : memref<128x64xf32, #tpu.memory_space<vmem>>, vector<1x16xf32>,
        %swap3A_296 = vector.shape_cast %swap3A_295 : vector<1x16xf32> to vector<16xf32>
        %swap3A_297 = vector.shape_cast %get3A_288 : vector<16xf32> to vector<1x16xf32>
        tpu.vector_store %arg9[%swap3A_293, %swap3A_294], %swap3A_297 {strides = array<i32>} : memref<128x64xf32, #tpu.memory_space<vmem>>, vector<1x16xf32>,
        %mul3A_298 = arith.constant 8 : i32
        %mul3A_299 = arith.muli %scan3A_95, %mul3A_298 : i32
        %add3A_300 = arith.constant 3 : i32
        %add3A_301 = arith.addi %mul3A_299, %add3A_300 : i32
        %get3A_302 = arith.index_cast %add3A_301 : i32 to index
        %get3A_303 = arith.constant 0 : index
        %get3A_304 = tpu.vector_load %arg7[%get3A_302, %get3A_303] {strides = array<i32>} : memref<128x128xf32, #tpu.memory_space<vmem>>, vector<1x16xf32>,
        %get3A_305 = vector.shape_cast %get3A_304 : vector<1x16xf32> to vector<16xf32>
        %mul3A_306 = arith.constant 8 : i32
        %mul3A_307 = arith.muli %scan3A_95, %mul3A_306 : i32
        %add3A_308 = arith.constant 3 : i32
        %add3A_309 = arith.addi %mul3A_307, %add3A_308 : i32
        %swap3A_310 = arith.index_cast %add3A_309 : i32 to index
        %swap3A_311 = arith.constant 0 : index
        %swap3A_312 = tpu.vector_load %arg9[%swap3A_310, %swap3A_311] {strides = array<i32>} : memref<128x64xf32, #tpu.memory_space<vmem>>, vector<1x16xf32>,
        %swap3A_313 = vector.shape_cast %swap3A_312 : vector<1x16xf32> to vector<16xf32>
        %swap3A_314 = vector.shape_cast %get3A_305 : vector<16xf32> to vector<1x16xf32>
        tpu.vector_store %arg9[%swap3A_310, %swap3A_311], %swap3A_314 {strides = array<i32>} : memref<128x64xf32, #tpu.memory_space<vmem>>, vector<1x16xf32>,
        %mul3A_315 = arith.constant 8 : i32
        %mul3A_316 = arith.muli %scan3A_95, %mul3A_315 : i32
        %add3A_317 = arith.constant 3 : i32
        %add3A_318 = arith.addi %mul3A_316, %add3A_317 : i32
        %get3A_319 = arith.index_cast %add3A_318 : i32 to index
        %get3A_320 = arith.constant 16 : index
        %get3A_321 = tpu.vector_load %arg7[%get3A_319, %get3A_320] {strides = array<i32>} : memref<128x128xf32, #tpu.memory_space<vmem>>, vector<1x16xf32>,
        %get3A_322 = vector.shape_cast %get3A_321 : vector<1x16xf32> to vector<16xf32>
        %mul3A_323 = arith.constant 8 : i32
        %mul3A_324 = arith.muli %scan3A_95, %mul3A_323 : i32
        %add3A_325 = arith.constant 3 : i32
        %add3A_326 = arith.addi %mul3A_324, %add3A_325 : i32
        %swap3A_327 = arith.index_cast %add3A_326 : i32 to index
        %swap3A_328 = arith.constant 16 : index
        %swap3A_329 = tpu.vector_load %arg9[%swap3A_327, %swap3A_328] {strides = array<i32>} : memref<128x64xf32, #tpu.memory_space<vmem>>, vector<1x16xf32>,
        %swap3A_330 = vector.shape_cast %swap3A_329 : vector<1x16xf32> to vector<16xf32>
        %swap3A_331 = vector.shape_cast %get3A_322 : vector<16xf32> to vector<1x16xf32>
        tpu.vector_store %arg9[%swap3A_327, %swap3A_328], %swap3A_331 {strides = array<i32>} : memref<128x64xf32, #tpu.memory_space<vmem>>, vector<1x16xf32>,
        %mul3A_332 = arith.constant 8 : i32
        %mul3A_333 = arith.muli %scan3A_95, %mul3A_332 : i32
        %add3A_334 = arith.constant 3 : i32
        %add3A_335 = arith.addi %mul3A_333, %add3A_334 : i32
        %get3A_336 = arith.index_cast %add3A_335 : i32 to index
        %get3A_337 = arith.constant 32 : index
        %get3A_338 = tpu.vector_load %arg7[%get3A_336, %get3A_337] {strides = array<i32>} : memref<128x128xf32, #tpu.memory_space<vmem>>, vector<1x16xf32>,
        %get3A_339 = vector.shape_cast %get3A_338 : vector<1x16xf32> to vector<16xf32>
        %mul3A_340 = arith.constant 8 : i32
        %mul3A_341 = arith.muli %scan3A_95, %mul3A_340 : i32
        %add3A_342 = arith.constant 3 : i32
        %add3A_343 = arith.addi %mul3A_341, %add3A_342 : i32
        %swap3A_344 = arith.index_cast %add3A_343 : i32 to index
        %swap3A_345 = arith.constant 32 : index
        %swap3A_346 = tpu.vector_load %arg9[%swap3A_344, %swap3A_345] {strides = array<i32>} : memref<128x64xf32, #tpu.memory_space<vmem>>, vector<1x16xf32>,
        %swap3A_347 = vector.shape_cast %swap3A_346 : vector<1x16xf32> to vector<16xf32>
        %swap3A_348 = vector.shape_cast %get3A_339 : vector<16xf32> to vector<1x16xf32>
        tpu.vector_store %arg9[%swap3A_344, %swap3A_345], %swap3A_348 {strides = array<i32>} : memref<128x64xf32, #tpu.memory_space<vmem>>, vector<1x16xf32>,
        %mul3A_349 = arith.constant 8 : i32
        %mul3A_350 = arith.muli %scan3A_95, %mul3A_349 : i32
        %add3A_351 = arith.constant 3 : i32
        %add3A_352 = arith.addi %mul3A_350, %add3A_351 : i32
        %get3A_353 = arith.index_cast %add3A_352 : i32 to index
        %get3A_354 = arith.constant 48 : index
        %get3A_355 = tpu.vector_load %arg7[%get3A_353, %get3A_354] {strides = array<i32>} : memref<128x128xf32, #tpu.memory_space<vmem>>, vector<1x16xf32>,
        %get3A_356 = vector.shape_cast %get3A_355 : vector<1x16xf32> to vector<16xf32>
        %mul3A_357 = arith.constant 8 : i32
        %mul3A_358 = arith.muli %scan3A_95, %mul3A_357 : i32
        %add3A_359 = arith.constant 3 : i32
        %add3A_360 = arith.addi %mul3A_358, %add3A_359 : i32
        %swap3A_361 = arith.index_cast %add3A_360 : i32 to index
        %swap3A_362 = arith.constant 48 : index
        %swap3A_363 = tpu.vector_load %arg9[%swap3A_361, %swap3A_362] {strides = array<i32>} : memref<128x64xf32, #tpu.memory_space<vmem>>, vector<1x16xf32>,
        %swap3A_364 = vector.shape_cast %swap3A_363 : vector<1x16xf32> to vector<16xf32>
        %swap3A_365 = vector.shape_cast %get3A_356 : vector<16xf32> to vector<1x16xf32>
        tpu.vector_store %arg9[%swap3A_361, %swap3A_362], %swap3A_365 {strides = array<i32>} : memref<128x64xf32, #tpu.memory_space<vmem>>, vector<1x16xf32>,
        %mul3A_366 = arith.constant 8 : i32
        %mul3A_367 = arith.muli %scan3A_95, %mul3A_366 : i32
        %add3A_368 = arith.constant 4 : i32
        %add3A_369 = arith.addi %mul3A_367, %add3A_368 : i32
        %get3A_370 = arith.index_cast %add3A_369 : i32 to index
        %get3A_371 = arith.constant 0 : index
        %get3A_372 = tpu.vector_load %arg7[%get3A_370, %get3A_371] {strides = array<i32>} : memref<128x128xf32, #tpu.memory_space<vmem>>, vector<1x16xf32>,
        %get3A_373 = vector.shape_cast %get3A_372 : vector<1x16xf32> to vector<16xf32>
        %mul3A_374 = arith.constant 8 : i32
        %mul3A_375 = arith.muli %scan3A_95, %mul3A_374 : i32
        %add3A_376 = arith.constant 4 : i32
        %add3A_377 = arith.addi %mul3A_375, %add3A_376 : i32
        %swap3A_378 = arith.index_cast %add3A_377 : i32 to index
        %swap3A_379 = arith.constant 0 : index
        %swap3A_380 = tpu.vector_load %arg9[%swap3A_378, %swap3A_379] {strides = array<i32>} : memref<128x64xf32, #tpu.memory_space<vmem>>, vector<1x16xf32>,
        %swap3A_381 = vector.shape_cast %swap3A_380 : vector<1x16xf32> to vector<16xf32>
        %swap3A_382 = vector.shape_cast %get3A_373 : vector<16xf32> to vector<1x16xf32>
        tpu.vector_store %arg9[%swap3A_378, %swap3A_379], %swap3A_382 {strides = array<i32>} : memref<128x64xf32, #tpu.memory_space<vmem>>, vector<1x16xf32>,
        %mul3A_383 = arith.constant 8 : i32
        %mul3A_384 = arith.muli %scan3A_95, %mul3A_383 : i32
        %add3A_385 = arith.constant 4 : i32
        %add3A_386 = arith.addi %mul3A_384, %add3A_385 : i32
        %get3A_387 = arith.index_cast %add3A_386 : i32 to index
        %get3A_388 = arith.constant 16 : index
        %get3A_389 = tpu.vector_load %arg7[%get3A_387, %get3A_388] {strides = array<i32>} : memref<128x128xf32, #tpu.memory_space<vmem>>, vector<1x16xf32>,
        %get3A_390 = vector.shape_cast %get3A_389 : vector<1x16xf32> to vector<16xf32>
        %mul3A_391 = arith.constant 8 : i32
        %mul3A_392 = arith.muli %scan3A_95, %mul3A_391 : i32
        %add3A_393 = arith.constant 4 : i32
        %add3A_394 = arith.addi %mul3A_392, %add3A_393 : i32
        %swap3A_395 = arith.index_cast %add3A_394 : i32 to index
        %swap3A_396 = arith.constant 16 : index
        %swap3A_397 = tpu.vector_load %arg9[%swap3A_395, %swap3A_396] {strides = array<i32>} : memref<128x64xf32, #tpu.memory_space<vmem>>, vector<1x16xf32>,
        %swap3A_398 = vector.shape_cast %swap3A_397 : vector<1x16xf32> to vector<16xf32>
        %swap3A_399 = vector.shape_cast %get3A_390 : vector<16xf32> to vector<1x16xf32>
        tpu.vector_store %arg9[%swap3A_395, %swap3A_396], %swap3A_399 {strides = array<i32>} : memref<128x64xf32, #tpu.memory_space<vmem>>, vector<1x16xf32>,
        %mul3A_400 = arith.constant 8 : i32
        %mul3A_401 = arith.muli %scan3A_95, %mul3A_400 : i32
        %add3A_402 = arith.constant 4 : i32
        %add3A_403 = arith.addi %mul3A_401, %add3A_402 : i32
        %get3A_404 = arith.index_cast %add3A_403 : i32 to index
        %get3A_405 = arith.constant 32 : index
        %get3A_406 = tpu.vector_load %arg7[%get3A_404, %get3A_405] {strides = array<i32>} : memref<128x128xf32, #tpu.memory_space<vmem>>, vector<1x16xf32>,
        %get3A_407 = vector.shape_cast %get3A_406 : vector<1x16xf32> to vector<16xf32>
        %mul3A_408 = arith.constant 8 : i32
        %mul3A_409 = arith.muli %scan3A_95, %mul3A_408 : i32
        %add3A_410 = arith.constant 4 : i32
        %add3A_411 = arith.addi %mul3A_409, %add3A_410 : i32
        %swap3A_412 = arith.index_cast %add3A_411 : i32 to index
        %swap3A_413 = arith.constant 32 : index
        %swap3A_414 = tpu.vector_load %arg9[%swap3A_412, %swap3A_413] {strides = array<i32>} : memref<128x64xf32, #tpu.memory_space<vmem>>, vector<1x16xf32>,
        %swap3A_415 = vector.shape_cast %swap3A_414 : vector<1x16xf32> to vector<16xf32>
        %swap3A_416 = vector.shape_cast %get3A_407 : vector<16xf32> to vector<1x16xf32>
        tpu.vector_store %arg9[%swap3A_412, %swap3A_413], %swap3A_416 {strides = array<i32>} : memref<128x64xf32, #tpu.memory_space<vmem>>, vector<1x16xf32>,
        %mul3A_417 = arith.constant 8 : i32
        %mul3A_418 = arith.muli %scan3A_95, %mul3A_417 : i32
        %add3A_419 = arith.constant 4 : i32
        %add3A_420 = arith.addi %mul3A_418, %add3A_419 : i32
        %get3A_421 = arith.index_cast %add3A_420 : i32 to index
        %get3A_422 = arith.constant 48 : index
        %get3A_423 = tpu.vector_load %arg7[%get3A_421, %get3A_422] {strides = array<i32>} : memref<128x128xf32, #tpu.memory_space<vmem>>, vector<1x16xf32>,
        %get3A_424 = vector.shape_cast %get3A_423 : vector<1x16xf32> to vector<16xf32>
        %mul3A_425 = arith.constant 8 : i32
        %mul3A_426 = arith.muli %scan3A_95, %mul3A_425 : i32
        %add3A_427 = arith.constant 4 : i32
        %add3A_428 = arith.addi %mul3A_426, %add3A_427 : i32
        %swap3A_429 = arith.index_cast %add3A_428 : i32 to index
        %swap3A_430 = arith.constant 48 : index
        %swap3A_431 = tpu.vector_load %arg9[%swap3A_429, %swap3A_430] {strides = array<i32>} : memref<128x64xf32, #tpu.memory_space<vmem>>, vector<1x16xf32>,
        %swap3A_432 = vector.shape_cast %swap3A_431 : vector<1x16xf32> to vector<16xf32>
        %swap3A_433 = vector.shape_cast %get3A_424 : vector<16xf32> to vector<1x16xf32>
        tpu.vector_store %arg9[%swap3A_429, %swap3A_430], %swap3A_433 {strides = array<i32>} : memref<128x64xf32, #tpu.memory_space<vmem>>, vector<1x16xf32>,
        %mul3A_434 = arith.constant 8 : i32
        %mul3A_435 = arith.muli %scan3A_95, %mul3A_434 : i32
        %add3A_436 = arith.constant 5 : i32
        %add3A_437 = arith.addi %mul3A_435, %add3A_436 : i32
        %get3A_438 = arith.index_cast %add3A_437 : i32 to index
        %get3A_439 = arith.constant 0 : index
        %get3A_440 = tpu.vector_load %arg7[%get3A_438, %get3A_439] {strides = array<i32>} : memref<128x128xf32, #tpu.memory_space<vmem>>, vector<1x16xf32>,
        %get3A_441 = vector.shape_cast %get3A_440 : vector<1x16xf32> to vector<16xf32>
        %mul3A_442 = arith.constant 8 : i32
        %mul3A_443 = arith.muli %scan3A_95, %mul3A_442 : i32
        %add3A_444 = arith.constant 5 : i32
        %add3A_445 = arith.addi %mul3A_443, %add3A_444 : i32
        %swap3A_446 = arith.index_cast %add3A_445 : i32 to index
        %swap3A_447 = arith.constant 0 : index
        %swap3A_448 = tpu.vector_load %arg9[%swap3A_446, %swap3A_447] {strides = array<i32>} : memref<128x64xf32, #tpu.memory_space<vmem>>, vector<1x16xf32>,
        %swap3A_449 = vector.shape_cast %swap3A_448 : vector<1x16xf32> to vector<16xf32>
        %swap3A_450 = vector.shape_cast %get3A_441 : vector<16xf32> to vector<1x16xf32>
        tpu.vector_store %arg9[%swap3A_446, %swap3A_447], %swap3A_450 {strides = array<i32>} : memref<128x64xf32, #tpu.memory_space<vmem>>, vector<1x16xf32>,
        %mul3A_451 = arith.constant 8 : i32
        %mul3A_452 = arith.muli %scan3A_95, %mul3A_451 : i32
        %add3A_453 = arith.constant 5 : i32
        %add3A_454 = arith.addi %mul3A_452, %add3A_453 : i32
        %get3A_455 = arith.index_cast %add3A_454 : i32 to index
        %get3A_456 = arith.constant 16 : index
        %get3A_457 = tpu.vector_load %arg7[%get3A_455, %get3A_456] {strides = array<i32>} : memref<128x128xf32, #tpu.memory_space<vmem>>, vector<1x16xf32>,
        %get3A_458 = vector.shape_cast %get3A_457 : vector<1x16xf32> to vector<16xf32>
        %mul3A_459 = arith.constant 8 : i32
        %mul3A_460 = arith.muli %scan3A_95, %mul3A_459 : i32
        %add3A_461 = arith.constant 5 : i32
        %add3A_462 = arith.addi %mul3A_460, %add3A_461 : i32
        %swap3A_463 = arith.index_cast %add3A_462 : i32 to index
        %swap3A_464 = arith.constant 16 : index
        %swap3A_465 = tpu.vector_load %arg9[%swap3A_463, %swap3A_464] {strides = array<i32>} : memref<128x64xf32, #tpu.memory_space<vmem>>, vector<1x16xf32>,
        %swap3A_466 = vector.shape_cast %swap3A_465 : vector<1x16xf32> to vector<16xf32>
        %swap3A_467 = vector.shape_cast %get3A_458 : vector<16xf32> to vector<1x16xf32>
        tpu.vector_store %arg9[%swap3A_463, %swap3A_464], %swap3A_467 {strides = array<i32>} : memref<128x64xf32, #tpu.memory_space<vmem>>, vector<1x16xf32>,
        %mul3A_468 = arith.constant 8 : i32
        %mul3A_469 = arith.muli %scan3A_95, %mul3A_468 : i32
        %add3A_470 = arith.constant 5 : i32
        %add3A_471 = arith.addi %mul3A_469, %add3A_470 : i32
        %get3A_472 = arith.index_cast %add3A_471 : i32 to index
        %get3A_473 = arith.constant 32 : index
        %get3A_474 = tpu.vector_load %arg7[%get3A_472, %get3A_473] {strides = array<i32>} : memref<128x128xf32, #tpu.memory_space<vmem>>, vector<1x16xf32>,
        %get3A_475 = vector.shape_cast %get3A_474 : vector<1x16xf32> to vector<16xf32>
        %mul3A_476 = arith.constant 8 : i32
        %mul3A_477 = arith.muli %scan3A_95, %mul3A_476 : i32
        %add3A_478 = arith.constant 5 : i32
        %add3A_479 = arith.addi %mul3A_477, %add3A_478 : i32
        %swap3A_480 = arith.index_cast %add3A_479 : i32 to index
        %swap3A_481 = arith.constant 32 : index
        %swap3A_482 = tpu.vector_load %arg9[%swap3A_480, %swap3A_481] {strides = array<i32>} : memref<128x64xf32, #tpu.memory_space<vmem>>, vector<1x16xf32>,
        %swap3A_483 = vector.shape_cast %swap3A_482 : vector<1x16xf32> to vector<16xf32>
        %swap3A_484 = vector.shape_cast %get3A_475 : vector<16xf32> to vector<1x16xf32>
        tpu.vector_store %arg9[%swap3A_480, %swap3A_481], %swap3A_484 {strides = array<i32>} : memref<128x64xf32, #tpu.memory_space<vmem>>, vector<1x16xf32>,
        %mul3A_485 = arith.constant 8 : i32
        %mul3A_486 = arith.muli %scan3A_95, %mul3A_485 : i32
        %add3A_487 = arith.constant 5 : i32
        %add3A_488 = arith.addi %mul3A_486, %add3A_487 : i32
        %get3A_489 = arith.index_cast %add3A_488 : i32 to index
        %get3A_490 = arith.constant 48 : index
        %get3A_491 = tpu.vector_load %arg7[%get3A_489, %get3A_490] {strides = array<i32>} : memref<128x128xf32, #tpu.memory_space<vmem>>, vector<1x16xf32>,
        %get3A_492 = vector.shape_cast %get3A_491 : vector<1x16xf32> to vector<16xf32>
        %mul3A_493 = arith.constant 8 : i32
        %mul3A_494 = arith.muli %scan3A_95, %mul3A_493 : i32
        %add3A_495 = arith.constant 5 : i32
        %add3A_496 = arith.addi %mul3A_494, %add3A_495 : i32
        %swap3A_497 = arith.index_cast %add3A_496 : i32 to index
        %swap3A_498 = arith.constant 48 : index
        %swap3A_499 = tpu.vector_load %arg9[%swap3A_497, %swap3A_498] {strides = array<i32>} : memref<128x64xf32, #tpu.memory_space<vmem>>, vector<1x16xf32>,
        %swap3A_500 = vector.shape_cast %swap3A_499 : vector<1x16xf32> to vector<16xf32>
        %swap3A_501 = vector.shape_cast %get3A_492 : vector<16xf32> to vector<1x16xf32>
        tpu.vector_store %arg9[%swap3A_497, %swap3A_498], %swap3A_501 {strides = array<i32>} : memref<128x64xf32, #tpu.memory_space<vmem>>, vector<1x16xf32>,
        %mul3A_502 = arith.constant 8 : i32
        %mul3A_503 = arith.muli %scan3A_95, %mul3A_502 : i32
        %add3A_504 = arith.constant 6 : i32
        %add3A_505 = arith.addi %mul3A_503, %add3A_504 : i32
        %get3A_506 = arith.index_cast %add3A_505 : i32 to index
        %get3A_507 = arith.constant 0 : index
        %get3A_508 = tpu.vector_load %arg7[%get3A_506, %get3A_507] {strides = array<i32>} : memref<128x128xf32, #tpu.memory_space<vmem>>, vector<1x16xf32>,
        %get3A_509 = vector.shape_cast %get3A_508 : vector<1x16xf32> to vector<16xf32>
        %mul3A_510 = arith.constant 8 : i32
        %mul3A_511 = arith.muli %scan3A_95, %mul3A_510 : i32
        %add3A_512 = arith.constant 6 : i32
        %add3A_513 = arith.addi %mul3A_511, %add3A_512 : i32
        %swap3A_514 = arith.index_cast %add3A_513 : i32 to index
        %swap3A_515 = arith.constant 0 : index
        %swap3A_516 = tpu.vector_load %arg9[%swap3A_514, %swap3A_515] {strides = array<i32>} : memref<128x64xf32, #tpu.memory_space<vmem>>, vector<1x16xf32>,
        %swap3A_517 = vector.shape_cast %swap3A_516 : vector<1x16xf32> to vector<16xf32>
        %swap3A_518 = vector.shape_cast %get3A_509 : vector<16xf32> to vector<1x16xf32>
        tpu.vector_store %arg9[%swap3A_514, %swap3A_515], %swap3A_518 {strides = array<i32>} : memref<128x64xf32, #tpu.memory_space<vmem>>, vector<1x16xf32>,
        %mul3A_519 = arith.constant 8 : i32
        %mul3A_520 = arith.muli %scan3A_95, %mul3A_519 : i32
        %add3A_521 = arith.constant 6 : i32
        %add3A_522 = arith.addi %mul3A_520, %add3A_521 : i32
        %get3A_523 = arith.index_cast %add3A_522 : i32 to index
        %get3A_524 = arith.constant 16 : index
        %get3A_525 = tpu.vector_load %arg7[%get3A_523, %get3A_524] {strides = array<i32>} : memref<128x128xf32, #tpu.memory_space<vmem>>, vector<1x16xf32>,
        %get3A_526 = vector.shape_cast %get3A_525 : vector<1x16xf32> to vector<16xf32>
        %mul3A_527 = arith.constant 8 : i32
        %mul3A_528 = arith.muli %scan3A_95, %mul3A_527 : i32
        %add3A_529 = arith.constant 6 : i32
        %add3A_530 = arith.addi %mul3A_528, %add3A_529 : i32
        %swap3A_531 = arith.index_cast %add3A_530 : i32 to index
        %swap3A_532 = arith.constant 16 : index
        %swap3A_533 = tpu.vector_load %arg9[%swap3A_531, %swap3A_532] {strides = array<i32>} : memref<128x64xf32, #tpu.memory_space<vmem>>, vector<1x16xf32>,
        %swap3A_534 = vector.shape_cast %swap3A_533 : vector<1x16xf32> to vector<16xf32>
        %swap3A_535 = vector.shape_cast %get3A_526 : vector<16xf32> to vector<1x16xf32>
        tpu.vector_store %arg9[%swap3A_531, %swap3A_532], %swap3A_535 {strides = array<i32>} : memref<128x64xf32, #tpu.memory_space<vmem>>, vector<1x16xf32>,
        %mul3A_536 = arith.constant 8 : i32
        %mul3A_537 = arith.muli %scan3A_95, %mul3A_536 : i32
        %add3A_538 = arith.constant 6 : i32
        %add3A_539 = arith.addi %mul3A_537, %add3A_538 : i32
        %get3A_540 = arith.index_cast %add3A_539 : i32 to index
        %get3A_541 = arith.constant 32 : index
        %get3A_542 = tpu.vector_load %arg7[%get3A_540, %get3A_541] {strides = array<i32>} : memref<128x128xf32, #tpu.memory_space<vmem>>, vector<1x16xf32>,
        %get3A_543 = vector.shape_cast %get3A_542 : vector<1x16xf32> to vector<16xf32>
        %mul3A_544 = arith.constant 8 : i32
        %mul3A_545 = arith.muli %scan3A_95, %mul3A_544 : i32
        %add3A_546 = arith.constant 6 : i32
        %add3A_547 = arith.addi %mul3A_545, %add3A_546 : i32
        %swap3A_548 = arith.index_cast %add3A_547 : i32 to index
        %swap3A_549 = arith.constant 32 : index
        %swap3A_550 = tpu.vector_load %arg9[%swap3A_548, %swap3A_549] {strides = array<i32>} : memref<128x64xf32, #tpu.memory_space<vmem>>, vector<1x16xf32>,
        %swap3A_551 = vector.shape_cast %swap3A_550 : vector<1x16xf32> to vector<16xf32>
        %swap3A_552 = vector.shape_cast %get3A_543 : vector<16xf32> to vector<1x16xf32>
        tpu.vector_store %arg9[%swap3A_548, %swap3A_549], %swap3A_552 {strides = array<i32>} : memref<128x64xf32, #tpu.memory_space<vmem>>, vector<1x16xf32>,
        %mul3A_553 = arith.constant 8 : i32
        %mul3A_554 = arith.muli %scan3A_95, %mul3A_553 : i32
        %add3A_555 = arith.constant 6 : i32
        %add3A_556 = arith.addi %mul3A_554, %add3A_555 : i32
        %get3A_557 = arith.index_cast %add3A_556 : i32 to index
        %get3A_558 = arith.constant 48 : index
        %get3A_559 = tpu.vector_load %arg7[%get3A_557, %get3A_558] {strides = array<i32>} : memref<128x128xf32, #tpu.memory_space<vmem>>, vector<1x16xf32>,
        %get3A_560 = vector.shape_cast %get3A_559 : vector<1x16xf32> to vector<16xf32>
        %mul3A_561 = arith.constant 8 : i32
        %mul3A_562 = arith.muli %scan3A_95, %mul3A_561 : i32
        %add3A_563 = arith.constant 6 : i32
        %add3A_564 = arith.addi %mul3A_562, %add3A_563 : i32
        %swap3A_565 = arith.index_cast %add3A_564 : i32 to index
        %swap3A_566 = arith.constant 48 : index
        %swap3A_567 = tpu.vector_load %arg9[%swap3A_565, %swap3A_566] {strides = array<i32>} : memref<128x64xf32, #tpu.memory_space<vmem>>, vector<1x16xf32>,
        %swap3A_568 = vector.shape_cast %swap3A_567 : vector<1x16xf32> to vector<16xf32>
        %swap3A_569 = vector.shape_cast %get3A_560 : vector<16xf32> to vector<1x16xf32>
        tpu.vector_store %arg9[%swap3A_565, %swap3A_566], %swap3A_569 {strides = array<i32>} : memref<128x64xf32, #tpu.memory_space<vmem>>, vector<1x16xf32>,
        %mul3A_570 = arith.constant 8 : i32
        %mul3A_571 = arith.muli %scan3A_95, %mul3A_570 : i32
        %add3A_572 = arith.constant 7 : i32
        %add3A_573 = arith.addi %mul3A_571, %add3A_572 : i32
        %get3A_574 = arith.index_cast %add3A_573 : i32 to index
        %get3A_575 = arith.constant 0 : index
        %get3A_576 = tpu.vector_load %arg7[%get3A_574, %get3A_575] {strides = array<i32>} : memref<128x128xf32, #tpu.memory_space<vmem>>, vector<1x16xf32>,
        %get3A_577 = vector.shape_cast %get3A_576 : vector<1x16xf32> to vector<16xf32>
        %mul3A_578 = arith.constant 8 : i32
        %mul3A_579 = arith.muli %scan3A_95, %mul3A_578 : i32
        %add3A_580 = arith.constant 7 : i32
        %add3A_581 = arith.addi %mul3A_579, %add3A_580 : i32
        %swap3A_582 = arith.index_cast %add3A_581 : i32 to index
        %swap3A_583 = arith.constant 0 : index
        %swap3A_584 = tpu.vector_load %arg9[%swap3A_582, %swap3A_583] {strides = array<i32>} : memref<128x64xf32, #tpu.memory_space<vmem>>, vector<1x16xf32>,
        %swap3A_585 = vector.shape_cast %swap3A_584 : vector<1x16xf32> to vector<16xf32>
        %swap3A_586 = vector.shape_cast %get3A_577 : vector<16xf32> to vector<1x16xf32>
        tpu.vector_store %arg9[%swap3A_582, %swap3A_583], %swap3A_586 {strides = array<i32>} : memref<128x64xf32, #tpu.memory_space<vmem>>, vector<1x16xf32>,
        %mul3A_587 = arith.constant 8 : i32
        %mul3A_588 = arith.muli %scan3A_95, %mul3A_587 : i32
        %add3A_589 = arith.constant 7 : i32
        %add3A_590 = arith.addi %mul3A_588, %add3A_589 : i32
        %get3A_591 = arith.index_cast %add3A_590 : i32 to index
        %get3A_592 = arith.constant 16 : index
        %get3A_593 = tpu.vector_load %arg7[%get3A_591, %get3A_592] {strides = array<i32>} : memref<128x128xf32, #tpu.memory_space<vmem>>, vector<1x16xf32>,
        %get3A_594 = vector.shape_cast %get3A_593 : vector<1x16xf32> to vector<16xf32>
        %mul3A_595 = arith.constant 8 : i32
        %mul3A_596 = arith.muli %scan3A_95, %mul3A_595 : i32
        %add3A_597 = arith.constant 7 : i32
        %add3A_598 = arith.addi %mul3A_596, %add3A_597 : i32
        %swap3A_599 = arith.index_cast %add3A_598 : i32 to index
        %swap3A_600 = arith.constant 16 : index
        %swap3A_601 = tpu.vector_load %arg9[%swap3A_599, %swap3A_600] {strides = array<i32>} : memref<128x64xf32, #tpu.memory_space<vmem>>, vector<1x16xf32>,
        %swap3A_602 = vector.shape_cast %swap3A_601 : vector<1x16xf32> to vector<16xf32>
        %swap3A_603 = vector.shape_cast %get3A_594 : vector<16xf32> to vector<1x16xf32>
        tpu.vector_store %arg9[%swap3A_599, %swap3A_600], %swap3A_603 {strides = array<i32>} : memref<128x64xf32, #tpu.memory_space<vmem>>, vector<1x16xf32>,
        %mul3A_604 = arith.constant 8 : i32
        %mul3A_605 = arith.muli %scan3A_95, %mul3A_604 : i32
        %add3A_606 = arith.constant 7 : i32
        %add3A_607 = arith.addi %mul3A_605, %add3A_606 : i32
        %get3A_608 = arith.index_cast %add3A_607 : i32 to index
        %get3A_609 = arith.constant 32 : index
        %get3A_610 = tpu.vector_load %arg7[%get3A_608, %get3A_609] {strides = array<i32>} : memref<128x128xf32, #tpu.memory_space<vmem>>, vector<1x16xf32>,
        %get3A_611 = vector.shape_cast %get3A_610 : vector<1x16xf32> to vector<16xf32>
        %mul3A_612 = arith.constant 8 : i32
        %mul3A_613 = arith.muli %scan3A_95, %mul3A_612 : i32
        %add3A_614 = arith.constant 7 : i32
        %add3A_615 = arith.addi %mul3A_613, %add3A_614 : i32
        %swap3A_616 = arith.index_cast %add3A_615 : i32 to index
        %swap3A_617 = arith.constant 32 : index
        %swap3A_618 = tpu.vector_load %arg9[%swap3A_616, %swap3A_617] {strides = array<i32>} : memref<128x64xf32, #tpu.memory_space<vmem>>, vector<1x16xf32>,
        %swap3A_619 = vector.shape_cast %swap3A_618 : vector<1x16xf32> to vector<16xf32>
        %swap3A_620 = vector.shape_cast %get3A_611 : vector<16xf32> to vector<1x16xf32>
        tpu.vector_store %arg9[%swap3A_616, %swap3A_617], %swap3A_620 {strides = array<i32>} : memref<128x64xf32, #tpu.memory_space<vmem>>, vector<1x16xf32>,
        %mul3A_621 = arith.constant 8 : i32
        %mul3A_622 = arith.muli %scan3A_95, %mul3A_621 : i32
        %add3A_623 = arith.constant 7 : i32
        %add3A_624 = arith.addi %mul3A_622, %add3A_623 : i32
        %get3A_625 = arith.index_cast %add3A_624 : i32 to index
        %get3A_626 = arith.constant 48 : index
        %get3A_627 = tpu.vector_load %arg7[%get3A_625, %get3A_626] {strides = array<i32>} : memref<128x128xf32, #tpu.memory_space<vmem>>, vector<1x16xf32>,
        %get3A_628 = vector.shape_cast %get3A_627 : vector<1x16xf32> to vector<16xf32>
        %mul3A_629 = arith.constant 8 : i32
        %mul3A_630 = arith.muli %scan3A_95, %mul3A_629 : i32
        %add3A_631 = arith.constant 7 : i32
        %add3A_632 = arith.addi %mul3A_630, %add3A_631 : i32
        %swap3A_633 = arith.index_cast %add3A_632 : i32 to index
        %swap3A_634 = arith.constant 48 : index
        %swap3A_635 = tpu.vector_load %arg9[%swap3A_633, %swap3A_634] {strides = array<i32>} : memref<128x64xf32, #tpu.memory_space<vmem>>, vector<1x16xf32>,
        %swap3A_636 = vector.shape_cast %swap3A_635 : vector<1x16xf32> to vector<16xf32>
        %swap3A_637 = vector.shape_cast %get3A_628 : vector<16xf32> to vector<1x16xf32>
        tpu.vector_store %arg9[%swap3A_633, %swap3A_634], %swap3A_637 {strides = array<i32>} : memref<128x64xf32, #tpu.memory_space<vmem>>, vector<1x16xf32>,
      }
      %scan3A_80 = arith.constant 16 : i32
      %mul3A_81 = arith.constant 128 : i32
      %mul3A_82 = arith.muli %add3A_63, %mul3A_81 : i32
      %add3A_83 = arith.addi %mul3A_2, %mul3A_82 : i32
      %dma_start3A_84 = arith.constant 0 : i32
      %dma_start3A_85 = tpu.memref_slice %arg4[%add3A_83, %dma_start3A_84] : memref<819200x64xf32, #tpu.memory_space<hbm>> -> memref<128x64xf32, #tpu.memory_space<hbm>>
      %dma_start3A_86 = arith.constant 0 : i32
      %dma_start3A_87 = tpu.memref_slice %arg4[%add3A_83, %dma_start3A_86] : memref<819200x64xf32, #tpu.memory_space<hbm>> -> memref<128x64xf32, #tpu.memory_space<hbm>>
      tpu.enqueue_dma source(%arg9 : memref<128x64xf32, #tpu.memory_space<vmem>>) target(%dma_start3A_87 : memref<128x64xf32, #tpu.memory_space<hbm>>) target_semaphore(%arg13 : memref<!tpu.dma_semaphore, #tpu.memory_space<semaphore_mem>>)
      %add3A_88 = arith.constant 2 : i32
      %add3A_89 = arith.addi %add3A_63, %add3A_88 : i32
      %lt3A_90 = arith.constant 200 : i32
      %lt3A_91 = arith.cmpi slt, %add3A_89, %lt3A_90 : i32
      %convert_element_type3A_92 = arith.extui %lt3A_91 : i1 to i32
      %cond3A_93 = arith.constant 0 : i32
      %cond3A_94 = arith.cmpi ne, %convert_element_type3A_92, %cond3A_93 : i32
      scf.if %cond3A_94 {
        %add3A_95 = arith.constant 2 : i32
        %add3A_96 = arith.addi %add3A_63, %add3A_95 : i32
        %mul3A_97 = arith.constant 128 : i32
        %mul3A_98 = arith.muli %add3A_96, %mul3A_97 : i32
        %dma_start3A_99 = tpu.memref_slice %arg5[%mul3A_98] : memref<25600xi32, #tpu.memory_space<vmem>> -> memref<128xi32, #tpu.memory_space<vmem>>
        %dma_start3A_100 = arith.constant 0 : i32
        %dma_start3A_101 = arith.constant 0 : i32
        %dma_start3A_102 = tpu.memref_slice %arg2[%dma_start3A_100, %dma_start3A_101] : memref<39973x128xf32, #tpu.memory_space<hbm>> -> memref<39973x128xf32, #tpu.memory_space<hbm>>
        tpu.enqueue_indirect_dma source(%dma_start3A_102 : memref<39973x128xf32, #tpu.memory_space<hbm>>) target(%arg7 : memref<128x128xf32, #tpu.memory_space<vmem>>) offsets(%dma_start3A_99 : memref<128xi32, #tpu.memory_space<vmem>>) semaphore(%arg11 : memref<!tpu.dma_semaphore, #tpu.memory_space<semaphore_mem>>)
      } else {
      }
    }
    %scan3A_16 = arith.constant 100 : i32
    %add3A_17 = arith.constant 25344 : i32
    %add3A_18 = arith.addi %mul3A_2, %add3A_17 : i32
    %dma_wait3A = arith.constant 0 : i32
    %dma_wait3A_19 = tpu.memref_slice %arg4[%add3A_18, %dma_wait3A] : memref<819200x64xf32, #tpu.memory_space<hbm>> -> memref<128x64xf32, #tpu.memory_space<hbm>>
    %dma_wait3A_20 = arith.constant 0 : i32
    %dma_wait3A_21 = tpu.memref_slice %arg4[%add3A_18, %dma_wait3A_20] : memref<819200x64xf32, #tpu.memory_space<hbm>> -> memref<128x64xf32, #tpu.memory_space<hbm>>
    tpu.wait_dma2 semaphore(%arg12 : memref<!tpu.dma_semaphore, #tpu.memory_space<semaphore_mem>>) src(%arg8 : memref<128x64xf32, #tpu.memory_space<vmem>>) dst(%dma_wait3A_21 : memref<128x64xf32, #tpu.memory_space<hbm>>)
    %add3A_22 = arith.constant 25472 : i32
    %add3A_23 = arith.addi %mul3A_2, %add3A_22 : i32
    %dma_wait3A_24 = arith.constant 0 : i32
    %dma_wait3A_25 = tpu.memref_slice %arg4[%add3A_23, %dma_wait3A_24] : memref<819200x64xf32, #tpu.memory_space<hbm>> -> memref<128x64xf32, #tpu.memory_space<hbm>>
    %dma_wait3A_26 = arith.constant 0 : i32
    %dma_wait3A_27 = tpu.memref_slice %arg4[%add3A_23, %dma_wait3A_26] : memref<819200x64xf32, #tpu.memory_space<hbm>> -> memref<128x64xf32, #tpu.memory_space<hbm>>
    tpu.wait_dma2 semaphore(%arg13 : memref<!tpu.dma_semaphore, #tpu.memory_space<semaphore_mem>>) src(%arg9 : memref<128x64xf32, #tpu.memory_space<vmem>>) dst(%dma_wait3A_27 : memref<128x64xf32, #tpu.memory_space<hbm>>)
    return
  }
}

module attributes {stable_mosaic.version = 14 : i64} {
  func.func @_proj_body(%arg0: i32, %arg1: memref<1024x128xf32, #tpu.memory_space<vmem>>, %arg2: memref<128x128xf32, #tpu.memory_space<vmem>>, %arg3: memref<1x128xf32, #tpu.memory_space<vmem>>, %arg4: memref<1024x128xf32, #tpu.memory_space<vmem>>) attributes {dimension_semantics = [#tpu.dimension_semantics<arbitrary>], iteration_bounds = array<i64: 40>, scalar_prefetch = 0 : i64, scratch_operands = 0 : i64, tpu.core_type = #tpu.core_type<tc>, window_params = [{transform_indices = @transform_0, window_bounds = array<i64: 1024, 128>}, {pipeline_mode = #tpu.pipeline_mode<synchronous>, transform_indices = @transform_1, window_bounds = array<i64: 128, 128>}, {pipeline_mode = #tpu.pipeline_mode<synchronous>, transform_indices = @transform_2, window_bounds = array<i64: 1, 128>}, {transform_indices = @transform_3, window_bounds = array<i64: 1024, 128>}]} {
    %mul3A = arith.constant 1024 : i32
    %mul3A_0 = arith.muli %arg0, %mul3A : i32
    %iota3A = tpu.iota {dimensions = array<i32: 0>} : vector<1024x1xi32>
    %add3A = vector.broadcast %mul3A_0 : i32 to vector<1024x1xi32>
    %add3A_1 = arith.addi %add3A, %iota3A : vector<1024x1xi32>
    %ne3A = arith.constant 39972 : i32
    %ne3A_2 = vector.broadcast %ne3A : i32 to vector<1024x1xi32>
    %ne3A_3 = arith.cmpi ne, %add3A_1, %ne3A_2 : vector<1024x1xi32>
    %get3A = arith.constant 0 : index
    %get3A_4 = arith.constant 0 : index
    %get3A_5 = vector.load %arg1[%get3A, %get3A_4] : memref<1024x128xf32, #tpu.memory_space<vmem>>, vector<1024x128xf32>
    %jit3A = arith.constant 0.000000e+00 : f32
    %broadcast_in_dim3A = vector.shape_cast %ne3A_3 : vector<1024x1xi1> to vector<1024x1xi1>
    %broadcast_in_dim3A_6 = vector.broadcast %broadcast_in_dim3A : vector<1024x1xi1> to vector<1024x128xi1>
    %broadcast_in_dim3A_7 = vector.broadcast %jit3A : f32 to vector<1024x128xf32>
    %select_n3A = arith.select %broadcast_in_dim3A_6, %get3A_5, %broadcast_in_dim3A_7 : vector<1024x128xi1>, vector<1024x128xf32>
    %get3A_8 = arith.constant 0 : index
    %get3A_9 = arith.constant 0 : index
    %get3A_10 = vector.load %arg2[%get3A_8, %get3A_9] : memref<128x128xf32, #tpu.memory_space<vmem>>, vector<128x128xf32>
    %dot_general3A = arith.constant dense<0.000000e+00> : vector<1024x128xf32>
    %dot_general3A_11 = tpu.matmul %select_n3A, %get3A_10, %dot_general3A {dimension_numbers = #tpu.dot_dimension_numbers<[1], [0], [0], [1], [0, 0, 1, 1], [], []>, transpose_lhs_hint = false} : vector<1024x128xf32>, vector<128x128xf32>, vector<1024x128xf32> -> vector<1024x128xf32>
    %get3A_12 = arith.constant 0 : index
    %get3A_13 = arith.constant 0 : index
    %get3A_14 = vector.load %arg3[%get3A_12, %get3A_13] : memref<1x128xf32, #tpu.memory_space<vmem>>, vector<1x128xf32>
    %add3A_15 = vector.broadcast %get3A_14 : vector<1x128xf32> to vector<1024x128xf32>
    %add3A_16 = arith.addf %dot_general3A_11, %add3A_15 : vector<1024x128xf32>
    %max3A = arith.constant 0.000000e+00 : f32
    %max3A_17 = vector.broadcast %max3A : f32 to vector<1024x128xf32>
    %max3A_18 = arith.maximumf %add3A_16, %max3A_17 : vector<1024x128xf32>
    %swap3A = arith.constant 0 : index
    %swap3A_19 = arith.constant 0 : index
    %swap3A_20 = vector.load %arg4[%swap3A, %swap3A_19] : memref<1024x128xf32, #tpu.memory_space<vmem>>, vector<1024x128xf32>
    tpu.vector_store %arg4[%swap3A, %swap3A_19], %max3A_18 {strides = array<i32>} : memref<1024x128xf32, #tpu.memory_space<vmem>>, vector<1024x128xf32>,
    return
  }
  func.func @transform_0(%arg0: i32) -> (i32, i32) {
    %c0_i32 = arith.constant 0 : i32
    %c0_i32_0 = arith.constant 0 : i32
    return %arg0, %c0_i32 : i32, i32
  }
  func.func @transform_1(%arg0: i32) -> (i32, i32) {
    %c0_i32 = arith.constant 0 : i32
    %c0_i32_0 = arith.constant 0 : i32
    %c0_i32_1 = arith.constant 0 : i32
    return %c0_i32, %c0_i32_0 : i32, i32
  }
  func.func @transform_2(%arg0: i32) -> (i32, i32) {
    %c0_i32 = arith.constant 0 : i32
    %c0_i32_0 = arith.constant 0 : i32
    %c0_i32_1 = arith.constant 0 : i32
    return %c0_i32, %c0_i32_0 : i32, i32
  }
  func.func @transform_3(%arg0: i32) -> (i32, i32) {
    %c0_i32 = arith.constant 0 : i32
    %c0_i32_0 = arith.constant 0 : i32
    return %arg0, %c0_i32 : i32, i32
  }
}

</mosaic_0001>

<sc_bundles>
// kernel: kernel.4.cloned.1.call-start
scs
__scs_entry_jumppad:
0x0: {  	(pc) =	sbr.rel $0x88, $3  }
0x1: {  	(tag) =	ssettag $0x0;
	lr =	simm.s32 $0x1  }
0x2: {  	[smem:$0x3F9C] =	sst lr;
	_ =	strace $0xD0000000  }
0x3: {  	_ = 	snop  }
0x4: {  	_ = 	snop  }
0x5: {  	_ = 	snop  }
0x6: {  	_ = 	snop  }
0x7: {  	_ = 	snop  }
__scs_overlays_trampoline_lowered:
0x8: {  	[smem:$0x3FAB] =	sst s0  }
0x9: {  	[smem:$0x3FAC] =	sst s1  }
0xa: {  	[smem:$0x3FAD] =	sst s2  }
0xb: {  	[smem:$0x3FAE] =	sst s3  }
0xc: {  	[smem:$0x3FAF] =	sst s4  }
0xd: {  	[smem:$0x3FB0] =	sst s5  }
0xe: {  	[smem:$0x3FB1] =	sst s6  }
0xf: {  	[smem:$0x3FB2] =	sst s7  }
0x10: {  	[smem:$0x3FB3] =	sst s8  }
0x11: {  	[smem:$0x3FB4] =	sst s9;
	s0 =	simm.s32 @!p0 $0x0  }
0x12: {  	s1 =	sld [smem:$0x3F9A];
	s0 =	simm.s32 @p0 $0x1  }
0x13: {  	[smem:$0x3FB5] =	sst s0;
	s0 =	simm.s32 @!p1 $0x0  }
0x14: {  	s2 =	sld [smem:$0x3F99];
	s0 =	simm.s32 @p1 $0x1  }
0x15: {  	[smem:$0x3FB6] =	sst s0;
	s0 =	simm.s32 @!p2 $0x0  }
0x16: {  	s3 =	sld [smem:$0x3FDB];
	s0 =	simm.s32 @p2 $0x1  }
0x17: {  	s4 =	simm.s32 $0x1BF5;
	[smem:$0x3FB8] =	sst s0  }
0x18: {  	s0 =	sld [smem:$0x3F9B];
	_ =	swait.ge [sflag:s4], $0x0  }
0x19: {  	s7 =	sld [smem:$0x3F9C]  }
0x1a: {  	s8 =	sadd.s32 $0xFFFFE003, lr  }
0x1b: {  	s9 =	sadd.s32 $0xFFFFFEF7, lr;
	s5 =	simm.s32 $0xFFFFFFFF;
	p2 =	slt.u32 s8, $0xFFFFF086  }
0x1c: {  	p1 =	slt.u32 s9, $0xF7A;
	s5 =	simm.s32 @!p2 $0x0  }
0x1d: {  	s5 =	simm.s32 @p1 $0x1;
	p0 =	seq.s32 s7, s2  }
0x1e: {  	s7 =	smul.u32 @!p0 $0xF7A, s2;
	p2 =	seq.s32 @!p0 s5, $0x0  }
0x1f: {  	s9 =	smul.u32 $0xF7A, s1;
	s8 =	simm.s32 @!p0 $0x1BF5;
	p2 =	por !p2, p0  }
0x20: {  	[sflag:s8] =	ssyncset.s32 @!p0 $0xFFFFF086;
	s6 =	sadd.s32 @!p0 s3, s7;
	s7 =	simm.s32 @!p0 $0x108  }
0x21: {  	s3 =	sadd.s32 s3, s9;
	s6 =	sadd.s32 @!p0 $0x88, s6;
	s7 =	simm.s32 @p2 $0x1082  }
0x22: {  	[simem:s7], [sflag:s8] =	dma.local @!p0 [hbm:s6], $0xF7A  }
0x23: {  	s9 =	sor.u32 $0xD0000000, s2;
	s6 =	simm.s32 $0x108;
	_ =	swait.ge @!p0 [sflag:s8], $0x0  }
0x24: {  	s3 =	sadd.s32 $0x88, s3;
	s6 =	simm.s32 @!p1 $0x1082;
	[sflag:s4] =	ssyncset.s32 $0xFFFFF086  }
0x25: {  	[simem:s6], [sflag:s4] =	dma.local [hbm:s3], $0xF7A  }
0x26: {  	[smem:$0x3F9C] =	sst s1;
	(tag) =	ssettag s2;
	_ =	strace s9  }
0x27: {  	s1 =	sld [smem:$0x3FAC]  }
0x28: {  	s2 =	sld [smem:$0x3FAD]  }
0x29: {  	s4 =	sld [smem:$0x3FAF]  }
0x2a: {  	p0 =	seq.s32 s5, $0x0;
	s5 =	sld [smem:$0x3FB0]  }
0x2b: {  	s6 =	sld [smem:$0x3FB1]  }
0x2c: {  	s7 =	sld [smem:$0x3FB2]  }
0x2d: {  	s3 =	simm.s32 $0x108;
	s8 =	sld [smem:$0x3FB3]  }
0x2e: {  	s3 =	simm.s32 @!p0 $0x1082;
	s9 =	sld [smem:$0x3FB4]  }
0x2f: {  	lr =	sadd.s32 s0, s3;
	s0 =	sld [smem:$0x3FAB]  }
0x30: {  	s3 =	sld [smem:$0x3FAE]  }
0x31: {  	[smem:$0x3FB7] =	sst s10  }
0x32: {  	s10 =	sld [smem:$0x3FB5];
	_ =	sdelay $0x3  }
0x33: {  	p0 =	seq.s32 s10, $0x1;
	s10 =	sld [smem:$0x3FB7];
	_ =	sdelay $0x3  }
0x34: {  	[smem:$0x3FB7] =	sst s10  }
0x35: {  	s10 =	sld [smem:$0x3FB6];
	_ =	sdelay $0x3  }
0x36: {  	p1 =	seq.s32 s10, $0x1;
	s10 =	sld [smem:$0x3FB7];
	_ =	sdelay $0x3  }
0x37: {  	[smem:$0x3FB7] =	sst s10  }
0x38: {  	s10 =	sld [smem:$0x3FB8]  }
0x39: {  	_ = 	snop;
	(pc) =	sbr.ind lr, $3  }
0x3a: {  	_ = 	snop  }
0x3b: {  	_ = 	snop  }
0x3c: {  	p2 =	seq.s32 s10, $0x1;
	s10 =	sld [smem:$0x3FB7]  }
0x3d: {  	_ =	shalt  }
0x3e: {  	_ =	shalt  }
0x3f: {  	_ =	shalt  }
0x40: {  	_ =	shalt  }
0x41: {  	_ =	shalt  }
0x42: {  	_ =	shalt  }
0x43: {  	_ =	shalt  }
0x44: {  	_ =	shalt  }
0x45: {  	_ =	shalt  }
0x46: {  	_ =	shalt  }
0x47: {  	_ =	shalt  }
0x48: {  	_ =	shalt  }
0x49: {  	_ =	shalt  }
0x4a: {  	_ =	shalt  }
0x4b: {  	_ =	shalt  }
0x4c: {  	_ =	shalt  }
0x4d: {  	_ =	shalt  }
0x4e: {  	_ =	shalt  }
0x4f: {  	_ =	shalt  }
0x50: {  	_ =	shalt  }
0x51: {  	_ =	shalt  }
0x52: {  	_ =	shalt  }
0x53: {  	_ =	shalt  }
0x54: {  	_ =	shalt  }
0x55: {  	_ =	shalt  }
0x56: {  	_ =	shalt  }
0x57: {  	_ =	shalt  }
0x58: {  	_ =	shalt  }
0x59: {  	_ =	shalt  }
0x5a: {  	_ =	shalt  }
0x5b: {  	_ =	shalt  }
0x5c: {  	_ =	shalt  }
0x5d: {  	_ =	shalt  }
0x5e: {  	_ =	shalt  }
0x5f: {  	_ =	shalt  }
0x60: {  	_ =	shalt  }
0x61: {  	_ =	shalt  }
0x62: {  	_ =	shalt  }
0x63: {  	_ =	shalt  }
0x64: {  	_ =	shalt  }
0x65: {  	_ =	shalt  }
0x66: {  	_ =	shalt  }
0x67: {  	_ =	shalt  }
0x68: {  	_ =	shalt  }
0x69: {  	_ =	shalt  }
0x6a: {  	_ =	shalt  }
0x6b: {  	_ =	shalt  }
0x6c: {  	_ =	shalt  }
0x6d: {  	_ =	shalt  }
0x6e: {  	_ =	shalt  }
0x6f: {  	_ =	shalt  }
0x70: {  	_ =	shalt  }
0x71: {  	_ =	shalt  }
0x72: {  	_ =	shalt  }
0x73: {  	_ =	shalt  }
0x74: {  	_ =	shalt  }
0x75: {  	_ =	shalt  }
0x76: {  	_ =	shalt  }
0x77: {  	_ =	shalt  }
0x78: {  	_ =	shalt  }
0x79: {  	_ =	shalt  }
0x7a: {  	_ =	shalt  }
0x7b: {  	_ =	shalt  }
0x7c: {  	_ =	shalt  }
0x7d: {  	_ =	shalt  }
0x7e: {  	_ =	shalt  }
0x7f: {  	_ =	shalt  }
0x80: {  	_ =	shalt  }
0x81: {  	_ =	shalt  }
0x82: {  	_ =	shalt  }
0x83: {  	_ =	shalt  }
0x84: {  	_ =	shalt  }
0x85: {  	_ =	shalt  }
0x86: {  	_ =	shalt  }
0x87: {  	_ =	shalt  }
.Lfunc_end0:
.L_simem_size_0:
called_computation.1_lowered:
.L_overlay_start_0:
0x88: {  	s2 =	sld [smem:$0x3FD9]  }
0x89: {  	s3 =	sld [smem:$0x3FFE];
	_ =	sdelay $0x1  }
0x8a: {  	s1 =	srdreg.scid  }
0x8b: {  	s0 =	sand.u32 $0x1, s1  }
0x8c: {  	s14 =	sshll.u32 s0, $0xA;
	s2 =	sadd.s32 s3, s2  }
0x8d: {  	s2 =	sadd.s32 s2, s14  }
0x8e: {  	[smem:$0x3FC3] =	sst s2  }
0x8f: {  	_ = 	snop  }
0x90: {  	s2 =	sld [smem:$0x3FD0];
	_ =	sdelay $0x2  }
0x91: {  	s15 =	simm.s32 $0xA;
	s4 =	simm.s32 $0x10  }
0x92: {  	[smem:s4], [sflag:s15] =	dma.local [hbm:s2], $0x1  }
0x93: {  	_ =	swait.eq [sflag:s15], $0x1  }
0x94: {  	[sflag:s15] =	ssyncset.done $0x0  }
0x95: {  	s16 =	sld [smem:$0x10];
	[sflag:s15] =	ssyncadd.s32 $0xFFFFFFFF  }
0x96: {  	s17 =	sld [smem:$0x11];
	(tm) =	ssettm $0x1  }
0x97: {  	s18 =	sld [smem:$0x3FFB];
	_ =	sdelay $0x3  }
0x98: {  	_ =	strace s18  }
0x99: {  	s4 =	sld [smem:$0x3FFC];
	_ =	sdelay $0x3  }
0x9a: {  	_ =	strace s4  }
0x9b: {  	s4 =	sld [smem:$0x3FFD];
	_ =	sdelay $0x3  }
0x9c: {  	_ =	strace s4  }
0x9d: {  	_ =	strace $0x8FFFFFFF  }
0x9e: {  	s19 =	sld [smem:$0x3FDB];
	_ =	sdelay $0x1  }
0x9f: {  	s5 =	simm.s32 $_scs_section_size  }
0xa0: {  	s6 =	simm.s32 $_size__tile_overlayer_lowered;
	s7 =	simm.s32 $_tile_overlayer_lowered  }
0xa1: {  	s22 =	simm.s32 $0x1BFF;
	s21 =	sshll.u32 s7, $0x1;
	s4 =	sadd.s32 s5, s19  }
0xa2: {  	s8 =	simm.s32 $0x0;
	s20 =	sshll.u32 s6, $0x1;
	s6 =	sadd.s32 s21, s4  }
0xa3: {  	[timem:s8], [sflag:s22] =	dma.local [hbm:s6], s20  }
0xa4: {  	_ =	swait.ge [sflag:s22], s20  }
0xa5: {  	s5 =	ssub.s32 $0x0, s20;
	[sflag:s22] =	ssyncset.done $0x0  }
0xa6: {  	[sflag:s22] =	ssyncadd.s32 s5;
	_ =	sdelay $0x1  }
0xa7: {  	s23 =	simm.s32 $0x1B8B  }
0xa8: {  	_ =	swait.ge [sflag:s23], $0x1  }
0xa9: {  	[sflag:s23] =	ssyncset.done $0x0  }
0xaa: {  	s25 =	simm.s32 $0x1B8E;
	s24 =	sld [smem:$0x3FFE];
	[sflag:s23] =	ssyncadd.s32 $0xFFFFFFFF  }
0xab: {  	s26 =	simm.s32 $execute0_lowered;
	[smem:$0x3FD2] =	sst s25  }
0xac: {  	s6 =	sshll.u32 s26, $0x1;
	_ =	strace $0x80000046;
	[dreg:$0x1] =	wrdreg $0xFFFFFFFF  }
0xad: {  	s28 =	simm.s32 $_size_execute0_lowered;
	s4 =	sadd.s32 s4, s6;
	[dreg:$0x0] =	wrdreg $0x0  }
0xae: {  	s6 =	sshll.u32 s28, $0x1;
	[dreg:$0x2] =	wrdreg s4  }
0xaf: {  	[dreg:$0x3] =	wrdreg s6  }
0xb0: {  	[dreg:$0x4] =	wrdreg $0xC0  }
0xb1: {  	_ =	task [dreg:s8], $0x5FFFF  }
0xb2: {  	[dreg:$0x1] =	wrdreg $0xFFFFFFFF  }
0xb3: {  	[dreg:$0x0] =	wrdreg $0x60  }
0xb4: {  	[dreg:$0x2] =	wrdreg s16  }
0xb5: {  	[dreg:$0x3] =	wrdreg s17  }
0xb6: {  	[dreg:$0x4] =	wrdreg s24  }
0xb7: {  	[dreg:$0x5] =	wrdreg $0x9  }
0xb8: {  	_ =	task.clear_ibuf [dreg:s8], $0x6FFFF;
	_ =	strace $0x90000046  }
0xb9: {  	s29 =	simm.s32 $0x9;
	_ =	strace $0x80000048  }
0xba: {  	_ =	swait.ge [sflag:s29], $0x1  }
0xbb: {  	[sflag:s29] =	ssyncadd.s32 $0xFFFFFFFF  }
0xbc: {  	_ =	strace $0x90000048  }
0xbd: {  	_ =	sfence  }
0xbe: {  	s30 =	sld [smem:$0x0];
	_ =	sdelay $0x2  }
0xbf: {  	s31 =	sshll.u32 s1, $0xD;
	s1 =	sshrl.u32 s1, $0x2  }
0xc0: {  	s3 =	sand.u32 $0x4000, s31;
	s1 =	sadd.s32 s1, s30  }
0xc1: {  	s0 =	sor.u32 s3, s0;
	s1 =	sshll.u32 s1, $0x11  }
0xc2: {  	s0 =	sor.u32 s1, s0  }
0xc3: {  	s0 =	sadd.s32 $0x8F2B, s0  }
0xc4: {  	[sflag:s0] =	ssyncadd.remote.s32 $0x1  }
0xc5: {  	_ =	sfence.sel $0xFFFF  }
0xc6: {  	[dreg:$0x0] =	wrdreg $0xFFFFFFFF;
	(pc) =	sbr.abs _section_cstart, $3  }
0xc7: {  	[dreg:$0x1] =	wrdreg $0xFFFFFFFF  }
0xc8: {  	_ =	task.clear_ibuf [dreg:s8], $0x2FFFF;
	_ =	strace $0x9FFFFFFF  }
0xc9: {  	(tm) =	ssettm $0x7FFFFFFF  }
tec
execute0_lowered:
.L_overlay_start_1:
0x0: {  	(tag) =	ssettag $0x1  }
0x1: {  	s1 =	rddreg [dreg:$0x0]  }
0x2: {  	s5 =	rddreg [dreg:$0x1];
	s2 =	srdreg.scid  }
0x3: {  	s0 =	stileid.u32;
	s4 =	rddreg [dreg:$0x2]  }
0x4: {  	s3 =	simm.s32 $0x0;
	s11 =	simm.s32 $0x6400;
	s12 =	simm.s32 $0xA400  }
0x5: {  	s13 =	simm.s32 $0x1;
	s14 =	simm.s32 $0xE400;
	s15 =	simm.s32 $0x2  }
0x6: {  	s16 =	simm.s32 $0x4;
	s6 =	sand.u32 $0x1, s2;
	s7 =	sshll.u32 s0, $0x1  }
0x7: {  	s17 =	simm.s32 $0x12400;
	s18 =	simm.s32 $0x3;
	s7 =	sor.u32 s6, s7  }
0x8: {  	s19 =	simm.s32 $0x0;
	s2 =	rddreg [dreg:$0x3];
	s8 =	smul.u32 $0xC80, s7  }
.Ltmp0:
0x9: {  	[smem:$0x7FF] =	sst s3;
	s6 =	ssub.s32 $0x2, s6;
	(pc) =	sbr.rel .LBB2_1-.Ltmp0, $4  }
0xa: {  	s4 =	sadd.s32 $0xC00, s4;
	s9 =	sshrl.u32 s6, $0x1;
	s10 =	smul.u32 $0x64000, s7  }
0xb: {  	_ =	strace $0x80000047;
	s9 =	ssub.s32 s6, s9;
	s6 =	smul.u32 $0x320000, s7  }
0xc: {  	s5 =	sadd.s32 s5, s8;
	s7 =	smax.u32 s9, $0x1;
	s31 =	sadd.s32 s10, s4  }
0xd: {  	s9 =	simm.s32 $0x5;
	s10 =	simm.s32 $0x80;
	s8 =	sadd.s32 $0x800, s31  }
.LBB2_12:
0xe: {  	s19 =	sadd.s32 $0x1, s19  }
0xf: {  	_ =	swait.ge [sflag:s18], $0x4000;
	p0 =	sne.s32 s19, s7  }
.Ltmp1:
0x10: {  	[sflag:s18] =	ssyncset.done $0x0;
	(pc) =	sbr.rel @!p0 .LBB2_13-.Ltmp1, $4  }
0x11: {  	[sflag:s18] =	ssyncadd.s32 $0xFFFFC000  }
0x12: {  	_ =	swait.ge [sflag:s16], $0x4000  }
0x13: {  	[sflag:s16] =	ssyncset.done $0x0  }
0x14: {  	[sflag:s16] =	ssyncadd.s32 $0xFFFFC000  }
.LBB2_1:
0x15: {  	[tilespmem:s3], [sflag:$0x5] =	stream.linear.gather [hbm4b:s5+s3], $0x6400, $0x38;
	[tilespmem:$0x16400] =	vst v63  }
0x16: {  	_ =	swait.ge [sflag:s9], $0x6400  }
0x17: {  	[sflag:s9] =	ssyncset.done $0x0  }
0x18: {  	[sflag:s9] =	ssyncadd.s32 $0xFFFF9C00  }
0x19: {  	[tilespmem:s11], [sflag:$0x1] =	stream.indirect.gather [hbm4b:s1+s10], $0x80, s3, s10, $0xb8;
	[tilespmem:$0x16400] =	vst v63  }
0x1a: {  	s20 =	simm.s32 $0x0  }
0x1b: {  	[tilespmem:s12], [sflag:$0x2] =	stream.indirect.gather [hbm4b:s1+s10], $0x80, s10, s10, $0xb8;
	[tilespmem:$0x16400] =	vst v63  }
.LBB2_2:
0x1c: {  	_ =	swait.ge [sflag:s13], $0x4000  }
0x1d: {  	p0 =	seq.s32 s20, $0x0;
	[sflag:s13] =	ssyncset.done $0x0  }
0x1e: {  	s21 =	simm.s32 @!p0 $0x3;
	[sflag:s13] =	ssyncadd.s32 $0xFFFFC000  }
0x1f: {  	_ =	swait.ge @!p0 [sflag:s21], $0x4000  }
0x20: {  	[sflag:s21] =	ssyncset.done @!p0 $0x0  }
0x21: {  	s22 =	simm.s32 $0x0;
	[sflag:s21] =	ssyncadd.s32 @!p0 $0xFFFFC000  }
0x22: {  	v0 =	vld [tilespmem:s22+$0x67B0]  }
0x23: {  	v1 =	vld [tilespmem:s22+$0x6400]  }
0x24: {  	v2 =	vld [tilespmem:s22+$0x6410]  }
0x25: {  	v3 =	vld [tilespmem:s22+$0x6420]  }
0x26: {  	v4 =	vld [tilespmem:s22+$0x6430]  }
0x27: {  	v5 =	vld [tilespmem:s22+$0x6480];
	[tilespmem:s22+$0xE7B0] =	vst v0  }
0x28: {  	[tilespmem:s22+$0xE400] =	vst v1;
	v0 =	vld [tilespmem:s22+$0x6490]  }
0x29: {  	[tilespmem:s22+$0xE410] =	vst v2;
	v1 =	vld [tilespmem:s22+$0x64A0]  }
0x2a: {  	[tilespmem:s22+$0xE420] =	vst v3;
	v2 =	vld [tilespmem:s22+$0x64B0]  }
0x2b: {  	[tilespmem:s22+$0xE430] =	vst v4;
	v3 =	vld [tilespmem:s22+$0x6500]  }
0x2c: {  	[tilespmem:s22+$0xE480] =	vst v5;
	v4 =	vld [tilespmem:s22+$0x6510]  }
0x2d: {  	v5 =	vld [tilespmem:s22+$0x6710];
	[tilespmem:s22+$0xE490] =	vst v0  }
0x2e: {  	v0 =	vld [tilespmem:s22+$0x6520];
	[tilespmem:s22+$0xE4A0] =	vst v1  }
0x2f: {  	v1 =	vld [tilespmem:s22+$0x6530];
	[tilespmem:s22+$0xE4B0] =	vst v2  }
0x30: {  	v2 =	vld [tilespmem:s22+$0x6580];
	[tilespmem:s22+$0xE500] =	vst v3  }
0x31: {  	v3 =	vld [tilespmem:s22+$0x6590];
	[tilespmem:s22+$0xE510] =	vst v4  }
0x32: {  	v4 =	vld [tilespmem:s22+$0x65A0];
	[tilespmem:s22+$0xE710] =	vst v5  }
0x33: {  	[tilespmem:s22+$0xE520] =	vst v0;
	v0 =	vld [tilespmem:s22+$0x65B0]  }
0x34: {  	[tilespmem:s22+$0xE530] =	vst v1;
	v1 =	vld [tilespmem:s22+$0x6600]  }
0x35: {  	[tilespmem:s22+$0xE580] =	vst v2;
	v2 =	vld [tilespmem:s22+$0x6610]  }
0x36: {  	[tilespmem:s22+$0xE590] =	vst v3;
	v3 =	vld [tilespmem:s22+$0x6620]  }
0x37: {  	[tilespmem:s22+$0xE5A0] =	vst v4;
	v4 =	vld [tilespmem:s22+$0x6630]  }
0x38: {  	[tilespmem:s22+$0xE5B0] =	vst v0;
	v0 =	vld [tilespmem:s22+$0x6680]  }
0x39: {  	[tilespmem:s22+$0xE600] =	vst v1;
	v1 =	vld [tilespmem:s22+$0x6690]  }
0x3a: {  	[tilespmem:s22+$0xE610] =	vst v2;
	v2 =	vld [tilespmem:s22+$0x66A0]  }
0x3b: {  	[tilespmem:s22+$0xE620] =	vst v3;
	v3 =	vld [tilespmem:s22+$0x66B0]  }
0x3c: {  	[tilespmem:s22+$0xE630] =	vst v4;
	v4 =	vld [tilespmem:s22+$0x6700]  }
0x3d: {  	[tilespmem:s22+$0xE680] =	vst v0;
	v0 =	vld [tilespmem:s22+$0x6720]  }
0x3e: {  	[tilespmem:s22+$0xE690] =	vst v1;
	v1 =	vld [tilespmem:s22+$0x6730]  }
0x3f: {  	[tilespmem:s22+$0xE6A0] =	vst v2;
	v2 =	vld [tilespmem:s22+$0x6780]  }
0x40: {  	[tilespmem:s22+$0xE6B0] =	vst v3;
	v3 =	vld [tilespmem:s22+$0x6790]  }
0x41: {  	s24 =	simm.s32 $0x400;
	s23 =	simm.s32 $0x2000;
	s21 =	sshll.u32 s20, $0xA;
	[tilespmem:s22+$0xE700] =	vst v4;
	v4 =	vld [tilespmem:s22+$0x67A0]  }
.LBB2_3:
0x42: {  	p1 =	sne.s32 s23, $0xF000;
	v5 =	vld [tilespmem:s24+$0x67B0];
	[tilespmem:s22+$0xE720] =	vst v0  }
0x43: {  	v0 =	vld [tilespmem:s24+$0x6400];
	[tilespmem:s22+$0xE730] =	vst v1  }
0x44: {  	v1 =	vld [tilespmem:s24+$0x6410];
	[tilespmem:s22+$0xE780] =	vst v2  }
0x45: {  	v2 =	vld [tilespmem:s24+$0x6420];
	[tilespmem:s22+$0xE790] =	vst v3  }
0x46: {  	v3 =	vld [tilespmem:s24+$0x6430];
	[tilespmem:s22+$0xE7A0] =	vst v4;
	s22 =	smov.u32 s24  }
0x47: {  	v4 =	vld [tilespmem:s22+$0x6480];
	[tilespmem:s22+$0xE7B0] =	vst v5  }
0x48: {  	[tilespmem:s22+$0xE400] =	vst v0;
	v0 =	vld [tilespmem:s22+$0x6490]  }
0x49: {  	[tilespmem:s22+$0xE410] =	vst v1;
	v1 =	vld [tilespmem:s22+$0x64A0]  }
0x4a: {  	[tilespmem:s22+$0xE420] =	vst v2;
	v2 =	vld [tilespmem:s22+$0x64B0]  }
0x4b: {  	[tilespmem:s22+$0xE430] =	vst v3;
	v3 =	vld [tilespmem:s22+$0x6500]  }
0x4c: {  	[tilespmem:s22+$0xE480] =	vst v4;
	v4 =	vld [tilespmem:s22+$0x6510]  }
0x4d: {  	[tilespmem:s22+$0xE490] =	vst v0;
	v0 =	vld [tilespmem:s22+$0x6520]  }
0x4e: {  	[tilespmem:s22+$0xE4A0] =	vst v1;
	v1 =	vld [tilespmem:s22+$0x6530]  }
0x4f: {  	[tilespmem:s22+$0xE4B0] =	vst v2;
	v2 =	vld [tilespmem:s22+$0x6580]  }
0x50: {  	[tilespmem:s22+$0xE500] =	vst v3;
	v3 =	vld [tilespmem:s22+$0x6590]  }
0x51: {  	[tilespmem:s22+$0xE510] =	vst v4;
	v4 =	vld [tilespmem:s22+$0x65A0]  }
0x52: {  	[tilespmem:s22+$0xE520] =	vst v0;
	v0 =	vld [tilespmem:s22+$0x65B0]  }
0x53: {  	[tilespmem:s22+$0xE530] =	vst v1;
	v1 =	vld [tilespmem:s22+$0x6600]  }
0x54: {  	[tilespmem:s22+$0xE580] =	vst v2;
	v2 =	vld [tilespmem:s22+$0x6610]  }
0x55: {  	[tilespmem:s22+$0xE590] =	vst v3;
	v3 =	vld [tilespmem:s22+$0x6620]  }
0x56: {  	[tilespmem:s22+$0xE5A0] =	vst v4;
	v4 =	vld [tilespmem:s22+$0x6630]  }
0x57: {  	[tilespmem:s22+$0xE5B0] =	vst v0;
	v0 =	vld [tilespmem:s22+$0x6680]  }
0x58: {  	[tilespmem:s22+$0xE600] =	vst v1;
	v1 =	vld [tilespmem:s22+$0x6690]  }
0x59: {  	[tilespmem:s22+$0xE610] =	vst v2;
	v2 =	vld [tilespmem:s22+$0x66A0]  }
0x5a: {  	[tilespmem:s22+$0xE620] =	vst v3;
	v3 =	vld [tilespmem:s22+$0x66B0]  }
0x5b: {  	[tilespmem:s22+$0xE630] =	vst v4;
	v4 =	vld [tilespmem:s22+$0x6700]  }
0x5c: {  	[tilespmem:s22+$0xE680] =	vst v0;
	v5 =	vld [tilespmem:s22+$0x6710]  }
.Ltmp2:
0x5d: {  	[tilespmem:s22+$0xE690] =	vst v1;
	v0 =	vld [tilespmem:s22+$0x6720];
	(pc) =	sbr.rel @p1 .LBB2_3-.Ltmp2, $4  }
0x5e: {  	[tilespmem:s22+$0xE6A0] =	vst v2;
	v1 =	vld [tilespmem:s22+$0x6730]  }
0x5f: {  	[tilespmem:s22+$0xE6B0] =	vst v3;
	v2 =	vld [tilespmem:s22+$0x6780]  }
0x60: {  	[tilespmem:s22+$0xE700] =	vst v4;
	v3 =	vld [tilespmem:s22+$0x6790]  }
0x61: {  	s24 =	sshra.s32 s23, $0x2;
	s23 =	sadd.s32 $0x1000, s23;
	[tilespmem:s22+$0xE710] =	vst v5;
	v4 =	vld [tilespmem:s22+$0x67A0]  }
0x62: {  	v5 =	vld [tilespmem:s24+$0x67B0];
	[tilespmem:s22+$0xE720] =	vst v0  }
0x63: {  	v0 =	vld [tilespmem:s24+$0x6400];
	[tilespmem:s22+$0xE730] =	vst v1  }
0x64: {  	v1 =	vld [tilespmem:s24+$0x6410];
	[tilespmem:s22+$0xE780] =	vst v2  }
0x65: {  	v2 =	vld [tilespmem:s24+$0x6420];
	[tilespmem:s22+$0xE790] =	vst v3  }
0x66: {  	v3 =	vld [tilespmem:s24+$0x6430];
	[tilespmem:s22+$0xE7A0] =	vst v4  }
0x67: {  	v4 =	vld [tilespmem:s24+$0x6480];
	[tilespmem:s24+$0xE7B0] =	vst v5  }
0x68: {  	v38 =	vld [tilespmem:s24+$0x6490];
	[tilespmem:s24+$0xE400] =	vst v0  }
0x69: {  	v39 =	vld [tilespmem:s24+$0x64A0];
	[tilespmem:s24+$0xE410] =	vst v1  }
0x6a: {  	v40 =	vld [tilespmem:s24+$0x64B0];
	[tilespmem:s24+$0xE420] =	vst v2  }
0x6b: {  	v41 =	vld [tilespmem:s24+$0x6500];
	[tilespmem:s24+$0xE430] =	vst v3  }
0x6c: {  	v42 =	vld [tilespmem:s24+$0x6510];
	[tilespmem:s24+$0xE480] =	vst v4  }
0x6d: {  	v43 =	vld [tilespmem:s24+$0x6520];
	[tilespmem:s24+$0xE490] =	vst v38  }
0x6e: {  	v44 =	vld [tilespmem:s24+$0x6530];
	[tilespmem:s24+$0xE4A0] =	vst v39  }
0x6f: {  	v45 =	vld [tilespmem:s24+$0x6580];
	[tilespmem:s24+$0xE4B0] =	vst v40  }
0x70: {  	v46 =	vld [tilespmem:s24+$0x6590];
	[tilespmem:s24+$0xE500] =	vst v41  }
0x71: {  	v47 =	vld [tilespmem:s24+$0x65A0];
	[tilespmem:s24+$0xE510] =	vst v42  }
0x72: {  	v48 =	vld [tilespmem:s24+$0x65B0];
	[tilespmem:s24+$0xE520] =	vst v43  }
0x73: {  	v49 =	vld [tilespmem:s24+$0x6600];
	[tilespmem:s24+$0xE530] =	vst v44  }
0x74: {  	v50 =	vld [tilespmem:s24+$0x6610];
	[tilespmem:s24+$0xE580] =	vst v45  }
0x75: {  	v51 =	vld [tilespmem:s24+$0x6620];
	[tilespmem:s24+$0xE590] =	vst v46  }
0x76: {  	v52 =	vld [tilespmem:s24+$0x6630];
	[tilespmem:s24+$0xE5A0] =	vst v47  }
0x77: {  	v53 =	vld [tilespmem:s24+$0x6680];
	[tilespmem:s24+$0xE5B0] =	vst v48  }
0x78: {  	v54 =	vld [tilespmem:s24+$0x6690];
	[tilespmem:s24+$0xE600] =	vst v49  }
0x79: {  	v55 =	vld [tilespmem:s24+$0x66A0];
	[tilespmem:s24+$0xE610] =	vst v50  }
0x7a: {  	v56 =	vld [tilespmem:s24+$0x66B0];
	[tilespmem:s24+$0xE620] =	vst v51  }
0x7b: {  	v57 =	vld [tilespmem:s24+$0x6700];
	[tilespmem:s24+$0xE630] =	vst v52  }
0x7c: {  	v58 =	vld [tilespmem:s24+$0x6710];
	[tilespmem:s24+$0xE680] =	vst v53  }
0x7d: {  	v59 =	vld [tilespmem:s24+$0x6720];
	[tilespmem:s24+$0xE690] =	vst v54  }
0x7e: {  	v60 =	vld [tilespmem:s24+$0x6730];
	[tilespmem:s24+$0xE6A0] =	vst v55  }
0x7f: {  	v61 =	vld [tilespmem:s24+$0x6780];
	[tilespmem:s24+$0xE6B0] =	vst v56  }
0x80: {  	v62 =	vld [tilespmem:s24+$0x6790];
	[tilespmem:s24+$0xE700] =	vst v57  }
0x81: {  	v63 =	vld [tilespmem:s24+$0x67A0];
	[tilespmem:s24+$0xE710] =	vst v58  }
0x82: {  	p1 =	sne.s32 s20, $0x63;
	[tilespmem:s24+$0xE720] =	vst v59  }
.Ltmp3:
0x83: {  	s31 =	sshll.u32 s20, $0xF;
	[tilespmem:s24+$0xE730] =	vst v60;
	(pc) =	sbr.rel @p1 .LBB2_6-.Ltmp3, $4  }
0x84: {  	s22 =	sadd.s32 s6, s31;
	[tilespmem:s24+$0xE780] =	vst v61  }
0x85: {  	s22 =	sshrl.u32 s22, $0x3;
	[tilespmem:s24+$0xE790] =	vst v62  }
0x86: {  	s22 =	sadd.s32 s4, s22;
	[tilespmem:s24+$0xE7A0] =	vst v63  }
0x87: {  	[hbm4b:s22+s3] =	stream.linear.scatter [tilespmem:s14], [sflag:$0x3], $0x4000, $0x38;
	[tilespmem:$0x16400] =	vst v63  }
.Ltmp4:
0x88: {  	(pc) =	sbr.rel .LBB2_7-.Ltmp4, $4  }
0x89: {  	_ = 	snop  }
0x8a: {  	_ =	swait.ge [sflag:s15], $0x4000  }
0x8b: {  	[sflag:s15] =	ssyncset.done $0x0  }
0x8c: {  	[sflag:s15] =	ssyncadd.s32 $0xFFFFC000  }
.LBB2_6:
0x8d: {  	s22 =	sshrl.u32 s21, $0x2  }
.Ltmp5:
0x8e: {  	s22 =	sadd.s32 $0x100, s22;
	(pc) =	sbr.rel @p0 .LBB2_8-.Ltmp5, $4  }
0x8f: {  	[tilespmem:s11], [sflag:$0x1] =	stream.indirect.gather [hbm4b:s1+s10], $0x80, s22, s10, $0xb8;
	[tilespmem:$0x16400] =	vst v63  }
0x90: {  	_ =	swait.ge [sflag:s15], $0x4000  }
0x91: {  	[sflag:s15] =	ssyncset.done $0x0  }
0x92: {  	[sflag:s15] =	ssyncadd.s32 $0xFFFFC000  }
.LBB2_7:
0x93: {  	_ =	swait.ge [sflag:s16], $0x4000  }
0x94: {  	[sflag:s16] =	ssyncset.done $0x0  }
0x95: {  	[sflag:s16] =	ssyncadd.s32 $0xFFFFC000  }
.LBB2_8:
0x96: {  	s22 =	simm.s32 $0x0  }
0x97: {  	v0 =	vld [tilespmem:s22+$0xA7B0]  }
0x98: {  	v1 =	vld [tilespmem:s22+$0xA400]  }
0x99: {  	v2 =	vld [tilespmem:s22+$0xA410]  }
0x9a: {  	v3 =	vld [tilespmem:s22+$0xA420]  }
0x9b: {  	v4 =	vld [tilespmem:s22+$0xA430]  }
0x9c: {  	v5 =	vld [tilespmem:s22+$0xA480];
	[tilespmem:s22+$0x127B0] =	vst v0  }
0x9d: {  	[tilespmem:s22+$0x12400] =	vst v1;
	v0 =	vld [tilespmem:s22+$0xA490]  }
0x9e: {  	[tilespmem:s22+$0x12410] =	vst v2;
	v1 =	vld [tilespmem:s22+$0xA4A0]  }
0x9f: {  	[tilespmem:s22+$0x12420] =	vst v3;
	v2 =	vld [tilespmem:s22+$0xA4B0]  }
0xa0: {  	[tilespmem:s22+$0x12430] =	vst v4;
	v3 =	vld [tilespmem:s22+$0xA500]  }
0xa1: {  	[tilespmem:s22+$0x12480] =	vst v5;
	v4 =	vld [tilespmem:s22+$0xA510]  }
0xa2: {  	v5 =	vld [tilespmem:s22+$0xA710];
	[tilespmem:s22+$0x12490] =	vst v0  }
0xa3: {  	v0 =	vld [tilespmem:s22+$0xA520];
	[tilespmem:s22+$0x124A0] =	vst v1  }
0xa4: {  	v1 =	vld [tilespmem:s22+$0xA530];
	[tilespmem:s22+$0x124B0] =	vst v2  }
0xa5: {  	v2 =	vld [tilespmem:s22+$0xA580];
	[tilespmem:s22+$0x12500] =	vst v3  }
0xa6: {  	v3 =	vld [tilespmem:s22+$0xA590];
	[tilespmem:s22+$0x12510] =	vst v4  }
0xa7: {  	v4 =	vld [tilespmem:s22+$0xA5A0];
	[tilespmem:s22+$0x12710] =	vst v5  }
0xa8: {  	[tilespmem:s22+$0x12520] =	vst v0;
	v0 =	vld [tilespmem:s22+$0xA5B0]  }
0xa9: {  	[tilespmem:s22+$0x12530] =	vst v1;
	v1 =	vld [tilespmem:s22+$0xA600]  }
0xaa: {  	[tilespmem:s22+$0x12580] =	vst v2;
	v2 =	vld [tilespmem:s22+$0xA610]  }
0xab: {  	[tilespmem:s22+$0x12590] =	vst v3;
	v3 =	vld [tilespmem:s22+$0xA620]  }
0xac: {  	[tilespmem:s22+$0x125A0] =	vst v4;
	v4 =	vld [tilespmem:s22+$0xA630]  }
0xad: {  	[tilespmem:s22+$0x125B0] =	vst v0;
	v0 =	vld [tilespmem:s22+$0xA680]  }
0xae: {  	[tilespmem:s22+$0x12600] =	vst v1;
	v1 =	vld [tilespmem:s22+$0xA690]  }
0xaf: {  	[tilespmem:s22+$0x12610] =	vst v2;
	v2 =	vld [tilespmem:s22+$0xA6A0]  }
0xb0: {  	[tilespmem:s22+$0x12620] =	vst v3;
	v3 =	vld [tilespmem:s22+$0xA6B0]  }
0xb1: {  	[tilespmem:s22+$0x12630] =	vst v4;
	v4 =	vld [tilespmem:s22+$0xA700]  }
0xb2: {  	[tilespmem:s22+$0x12680] =	vst v0;
	v0 =	vld [tilespmem:s22+$0xA720]  }
0xb3: {  	[tilespmem:s22+$0x12690] =	vst v1;
	v1 =	vld [tilespmem:s22+$0xA730]  }
0xb4: {  	[tilespmem:s22+$0x126A0] =	vst v2;
	v2 =	vld [tilespmem:s22+$0xA780]  }
0xb5: {  	[tilespmem:s22+$0x126B0] =	vst v3;
	v3 =	vld [tilespmem:s22+$0xA790]  }
0xb6: {  	s24 =	simm.s32 $0x400;
	s23 =	simm.s32 $0x2000;
	[tilespmem:s22+$0x12700] =	vst v4;
	v4 =	vld [tilespmem:s22+$0xA7A0]  }
.LBB2_9:
0xb7: {  	p0 =	sne.s32 s23, $0xF000;
	v5 =	vld [tilespmem:s24+$0xA7B0];
	[tilespmem:s22+$0x12720] =	vst v0  }
0xb8: {  	v0 =	vld [tilespmem:s24+$0xA400];
	[tilespmem:s22+$0x12730] =	vst v1  }
0xb9: {  	v1 =	vld [tilespmem:s24+$0xA410];
	[tilespmem:s22+$0x12780] =	vst v2  }
0xba: {  	v2 =	vld [tilespmem:s24+$0xA420];
	[tilespmem:s22+$0x12790] =	vst v3  }
0xbb: {  	v3 =	vld [tilespmem:s24+$0xA430];
	[tilespmem:s22+$0x127A0] =	vst v4;
	s22 =	smov.u32 s24  }
0xbc: {  	v4 =	vld [tilespmem:s22+$0xA480];
	[tilespmem:s22+$0x127B0] =	vst v5  }
0xbd: {  	[tilespmem:s22+$0x12400] =	vst v0;
	v0 =	vld [tilespmem:s22+$0xA490]  }
0xbe: {  	[tilespmem:s22+$0x12410] =	vst v1;
	v1 =	vld [tilespmem:s22+$0xA4A0]  }
0xbf: {  	[tilespmem:s22+$0x12420] =	vst v2;
	v2 =	vld [tilespmem:s22+$0xA4B0]  }
0xc0: {  	[tilespmem:s22+$0x12430] =	vst v3;
	v3 =	vld [tilespmem:s22+$0xA500]  }
0xc1: {  	[tilespmem:s22+$0x12480] =	vst v4;
	v4 =	vld [tilespmem:s22+$0xA510]  }
0xc2: {  	[tilespmem:s22+$0x12490] =	vst v0;
	v0 =	vld [tilespmem:s22+$0xA520]  }
0xc3: {  	[tilespmem:s22+$0x124A0] =	vst v1;
	v1 =	vld [tilespmem:s22+$0xA530]  }
0xc4: {  	[tilespmem:s22+$0x124B0] =	vst v2;
	v2 =	vld [tilespmem:s22+$0xA580]  }
0xc5: {  	[tilespmem:s22+$0x12500] =	vst v3;
	v3 =	vld [tilespmem:s22+$0xA590]  }
0xc6: {  	[tilespmem:s22+$0x12510] =	vst v4;
	v4 =	vld [tilespmem:s22+$0xA5A0]  }
0xc7: {  	[tilespmem:s22+$0x12520] =	vst v0;
	v0 =	vld [tilespmem:s22+$0xA5B0]  }
0xc8: {  	[tilespmem:s22+$0x12530] =	vst v1;
	v1 =	vld [tilespmem:s22+$0xA600]  }
0xc9: {  	[tilespmem:s22+$0x12580] =	vst v2;
	v2 =	vld [tilespmem:s22+$0xA610]  }
0xca: {  	[tilespmem:s22+$0x12590] =	vst v3;
	v3 =	vld [tilespmem:s22+$0xA620]  }
0xcb: {  	[tilespmem:s22+$0x125A0] =	vst v4;
	v4 =	vld [tilespmem:s22+$0xA630]  }
0xcc: {  	[tilespmem:s22+$0x125B0] =	vst v0;
	v0 =	vld [tilespmem:s22+$0xA680]  }
0xcd: {  	[tilespmem:s22+$0x12600] =	vst v1;
	v1 =	vld [tilespmem:s22+$0xA690]  }
0xce: {  	[tilespmem:s22+$0x12610] =	vst v2;
	v2 =	vld [tilespmem:s22+$0xA6A0]  }
0xcf: {  	[tilespmem:s22+$0x12620] =	vst v3;
	v3 =	vld [tilespmem:s22+$0xA6B0]  }
0xd0: {  	[tilespmem:s22+$0x12630] =	vst v4;
	v4 =	vld [tilespmem:s22+$0xA700]  }
0xd1: {  	[tilespmem:s22+$0x12680] =	vst v0;
	v5 =	vld [tilespmem:s22+$0xA710]  }
.Ltmp6:
0xd2: {  	[tilespmem:s22+$0x12690] =	vst v1;
	v0 =	vld [tilespmem:s22+$0xA720];
	(pc) =	sbr.rel @p0 .LBB2_9-.Ltmp6, $4  }
0xd3: {  	[tilespmem:s22+$0x126A0] =	vst v2;
	v1 =	vld [tilespmem:s22+$0xA730]  }
0xd4: {  	[tilespmem:s22+$0x126B0] =	vst v3;
	v2 =	vld [tilespmem:s22+$0xA780]  }
0xd5: {  	[tilespmem:s22+$0x12700] =	vst v4;
	v3 =	vld [tilespmem:s22+$0xA790]  }
0xd6: {  	s24 =	sshra.s32 s23, $0x2;
	s23 =	sadd.s32 $0x1000, s23;
	[tilespmem:s22+$0x12710] =	vst v5;
	v4 =	vld [tilespmem:s22+$0xA7A0]  }
0xd7: {  	v5 =	vld [tilespmem:s24+$0xA7B0];
	[tilespmem:s22+$0x12720] =	vst v0  }
0xd8: {  	v0 =	vld [tilespmem:s24+$0xA400];
	[tilespmem:s22+$0x12730] =	vst v1  }
0xd9: {  	v1 =	vld [tilespmem:s24+$0xA410];
	[tilespmem:s22+$0x12780] =	vst v2  }
0xda: {  	v2 =	vld [tilespmem:s24+$0xA420];
	[tilespmem:s22+$0x12790] =	vst v3  }
0xdb: {  	v3 =	vld [tilespmem:s24+$0xA430];
	[tilespmem:s22+$0x127A0] =	vst v4  }
0xdc: {  	v4 =	vld [tilespmem:s24+$0xA480];
	[tilespmem:s24+$0x127B0] =	vst v5  }
0xdd: {  	v38 =	vld [tilespmem:s24+$0xA490];
	[tilespmem:s24+$0x12400] =	vst v0  }
0xde: {  	v39 =	vld [tilespmem:s24+$0xA4A0];
	[tilespmem:s24+$0x12410] =	vst v1  }
0xdf: {  	v40 =	vld [tilespmem:s24+$0xA4B0];
	[tilespmem:s24+$0x12420] =	vst v2  }
0xe0: {  	v41 =	vld [tilespmem:s24+$0xA500];
	[tilespmem:s24+$0x12430] =	vst v3  }
0xe1: {  	v42 =	vld [tilespmem:s24+$0xA510];
	[tilespmem:s24+$0x12480] =	vst v4  }
0xe2: {  	v43 =	vld [tilespmem:s24+$0xA520];
	[tilespmem:s24+$0x12490] =	vst v38  }
0xe3: {  	v44 =	vld [tilespmem:s24+$0xA530];
	[tilespmem:s24+$0x124A0] =	vst v39  }
0xe4: {  	v45 =	vld [tilespmem:s24+$0xA580];
	[tilespmem:s24+$0x124B0] =	vst v40  }
0xe5: {  	v46 =	vld [tilespmem:s24+$0xA590];
	[tilespmem:s24+$0x12500] =	vst v41  }
0xe6: {  	v47 =	vld [tilespmem:s24+$0xA5A0];
	[tilespmem:s24+$0x12510] =	vst v42  }
0xe7: {  	v48 =	vld [tilespmem:s24+$0xA5B0];
	[tilespmem:s24+$0x12520] =	vst v43  }
0xe8: {  	v49 =	vld [tilespmem:s24+$0xA600];
	[tilespmem:s24+$0x12530] =	vst v44  }
0xe9: {  	v50 =	vld [tilespmem:s24+$0xA610];
	[tilespmem:s24+$0x12580] =	vst v45  }
0xea: {  	v51 =	vld [tilespmem:s24+$0xA620];
	[tilespmem:s24+$0x12590] =	vst v46  }
0xeb: {  	v52 =	vld [tilespmem:s24+$0xA630];
	[tilespmem:s24+$0x125A0] =	vst v47  }
0xec: {  	v53 =	vld [tilespmem:s24+$0xA680];
	[tilespmem:s24+$0x125B0] =	vst v48  }
0xed: {  	v54 =	vld [tilespmem:s24+$0xA690];
	[tilespmem:s24+$0x12600] =	vst v49  }
0xee: {  	v55 =	vld [tilespmem:s24+$0xA6A0];
	[tilespmem:s24+$0x12610] =	vst v50  }
0xef: {  	v56 =	vld [tilespmem:s24+$0xA6B0];
	[tilespmem:s24+$0x12620] =	vst v51  }
0xf0: {  	v57 =	vld [tilespmem:s24+$0xA700];
	[tilespmem:s24+$0x12630] =	vst v52  }
0xf1: {  	v58 =	vld [tilespmem:s24+$0xA710];
	[tilespmem:s24+$0x12680] =	vst v53  }
0xf2: {  	v59 =	vld [tilespmem:s24+$0xA720];
	[tilespmem:s24+$0x12690] =	vst v54  }
0xf3: {  	v60 =	vld [tilespmem:s24+$0xA730];
	[tilespmem:s24+$0x126A0] =	vst v55  }
0xf4: {  	v61 =	vld [tilespmem:s24+$0xA780];
	[tilespmem:s24+$0x126B0] =	vst v56  }
0xf5: {  	v62 =	vld [tilespmem:s24+$0xA790];
	[tilespmem:s24+$0x12700] =	vst v57  }
0xf6: {  	v63 =	vld [tilespmem:s24+$0xA7A0];
	[tilespmem:s24+$0x12710] =	vst v58  }
0xf7: {  	p0 =	seq.s32 s20, $0x63;
	[tilespmem:s24+$0x12720] =	vst v59  }
.Ltmp7:
0xf8: {  	[tilespmem:s24+$0x12730] =	vst v60;
	(pc) =	sbr.rel @p0 .LBB2_12-.Ltmp7, $4  }
0xf9: {  	[tilespmem:s24+$0x12780] =	vst v61  }
0xfa: {  	s31 =	sshll.u32 s20, $0xC;
	[tilespmem:s24+$0x12790] =	vst v62  }
0xfb: {  	s22 =	sadd.s32 s8, s31;
	[tilespmem:s24+$0x127A0] =	vst v63  }
0xfc: {  	[hbm4b:s22+s3] =	stream.linear.scatter [tilespmem:s17], [sflag:$0x4], $0x4000, $0x38;
	[tilespmem:$0x16400] =	vst v63  }
.Ltmp8:
0xfd: {  	(pc) =	sbr.rel .LBB2_2-.Ltmp8, $4  }
0xfe: {  	_ = 	snop  }
0xff: {  	s21 =	sshrl.u32 s21, $0x2  }
0x100: {  	s20 =	sadd.s32 $0x1, s20;
	s21 =	sadd.s32 $0x180, s21  }
0x101: {  	[tilespmem:s12], [sflag:$0x2] =	stream.indirect.gather [hbm4b:s1+s10], $0x80, s21, s10, $0xb8;
	[tilespmem:$0x16400] =	vst v63  }
.LBB2_13:
0x102: {  	_ =	sfence.sel $0x180000  }
0x103: {  	[bflag:$0x0] =	sbarrier.arrive $0xFFFF  }
0x104: {  	p0 =	sne.s32 s0, $0x0;
	_ =	strace $0x90000047  }
0x105: {  	s0 =	sadd.s32 @!p0 $0x100000, s2;
	[bflag:$0x2] =	sbarrier.arrive $0xFFFF  }
0x106: {  	[sflag:s0] =	ssyncadd.tile.s32 @!p0 $0x1;
	_ =	shalt  }
.Lfunc_end2:
_tile_overlayer_lowered:
.L_overlay_start_2:
0x107: {  	(tag) =	ssettag $0x2  }
0x108: {  	s0 =	rddreg [dreg:$0x0];
	s2 =	stileid.u32  }
0x109: {  	s1 =	rddreg [dreg:$0x1];
	p0 =	sne.s32 s2, $0x0  }
0x10a: {  	s3 =	rddreg [dreg:$0x2];
	[bflag:$0x3] =	sbarrier.arrive $0xFFFF;
	s2 =	simm.s32 @!p0 $0x1C05  }
0x10b: {  	[timem:s3], [sflag:s2] =	dma.local @!p0 [hbm:s0], s1  }
0x10c: {  	s0 =	simm.s32 @!p0 $0x5  }
0x10d: {  	_ =	swait.ge @!p0 [sflag:s0], s1  }
0x10e: {  	s1 =	ssub.s32 @!p0 $0x0, s1;
	[sflag:s0] =	ssyncset.done @!p0 $0x0  }
0x10f: {  	[sflag:s0] =	ssyncadd.s32 @!p0 s1  }
0x110: {  	[bflag:$0x3] =	sbarrier.arrive $0xFFFF  }
0x111: {  	_ =	shalt  }

// kernel: sparse-core-data-format-call.cloned.1.call-start
scs
called_computation_lowered:
.L_overlay_start_0:
0x0: {  	s2 =	sld [smem:$0x3FD9]  }
0x1: {  	s3 =	sld [smem:$0x3FFE];
	_ =	sdelay $0x1  }
0x2: {  	s1 =	srdreg.scid  }
0x3: {  	s0 =	sand.u32 $0x1, s1  }
0x4: {  	s15 =	sshll.u32 s0, $0xA;
	s2 =	sadd.s32 s3, s2  }
0x5: {  	s2 =	sadd.s32 s2, s15  }
0x6: {  	[smem:$0x3FC3] =	sst s2  }
0x7: {  	_ = 	snop  }
0x8: {  	s2 =	sld [smem:$0x3FD0];
	_ =	sdelay $0x2  }
0x9: {  	s16 =	simm.s32 $0xA;
	s4 =	simm.s32 $0x10  }
0xa: {  	[smem:s4], [sflag:s16] =	dma.local [hbm:s2], $0x1  }
0xb: {  	_ =	swait.eq [sflag:s16], $0x1  }
0xc: {  	[sflag:s16] =	ssyncset.done $0x0  }
0xd: {  	[sflag:s16] =	ssyncadd.s32 $0xFFFFFFFF  }
0xe: {  	s17 =	sld [smem:$0x10];
	(tm) =	ssettm $0x1  }
0xf: {  	s18 =	sld [smem:$0x3FFB];
	_ =	sdelay $0x3  }
0x10: {  	_ =	strace s18  }
0x11: {  	s3 =	sld [smem:$0x3FFC];
	_ =	sdelay $0x3  }
0x12: {  	_ =	strace s3  }
0x13: {  	s3 =	sld [smem:$0x3FFD];
	_ =	sdelay $0x3  }
0x14: {  	_ =	strace s3  }
0x15: {  	_ =	strace $0x8FFFFFFF  }
0x16: {  	s19 =	sld [smem:$0x3FDB];
	_ =	sdelay $0x1  }
0x17: {  	s20 =	simm.s32 $_scs_section_size  }
0x18: {  	s5 =	simm.s32 $_size__tile_overlayer_lowered;
	s6 =	simm.s32 $_tile_overlayer_lowered  }
0x19: {  	s23 =	simm.s32 $0x1BFF;
	s22 =	sshll.u32 s6, $0x1;
	s3 =	sadd.s32 s20, s19  }
0x1a: {  	s7 =	simm.s32 $0x0;
	s21 =	sshll.u32 s5, $0x1;
	s5 =	sadd.s32 s22, s3  }
0x1b: {  	[timem:s7], [sflag:s23] =	dma.local [hbm:s5], s21  }
0x1c: {  	_ =	swait.ge [sflag:s23], s21  }
0x1d: {  	s4 =	ssub.s32 $0x0, s21;
	[sflag:s23] =	ssyncset.done $0x0  }
0x1e: {  	[sflag:s23] =	ssyncadd.s32 s4;
	_ =	sdelay $0x1  }
0x1f: {  	s24 =	simm.s32 $0x1B8B  }
0x20: {  	_ =	swait.ge [sflag:s24], $0x1  }
0x21: {  	[sflag:s24] =	ssyncset.done $0x0  }
0x22: {  	s26 =	simm.s32 $0x1B8E;
	s25 =	sld [smem:$0x3FFE];
	[sflag:s24] =	ssyncadd.s32 $0xFFFFFFFF  }
0x23: {  	s27 =	simm.s32 $execute0_lowered;
	[smem:$0x3FD2] =	sst s26  }
0x24: {  	s5 =	sshll.u32 s27, $0x1;
	_ =	strace $0x80000049;
	[dreg:$0x1] =	wrdreg $0xFFFFFFFF  }
0x25: {  	s28 =	simm.s32 $_size_execute0_lowered;
	s3 =	sadd.s32 s3, s5;
	[dreg:$0x0] =	wrdreg $0x0  }
0x26: {  	s5 =	sshll.u32 s28, $0x1;
	[dreg:$0x2] =	wrdreg s3  }
0x27: {  	[dreg:$0x3] =	wrdreg s5  }
0x28: {  	[dreg:$0x4] =	wrdreg $0xC0  }
0x29: {  	_ =	task [dreg:s7], $0x5FFFF  }
0x2a: {  	[dreg:$0x1] =	wrdreg $0xFFFFFFFF  }
0x2b: {  	[dreg:$0x0] =	wrdreg $0x60  }
0x2c: {  	[dreg:$0x2] =	wrdreg s25  }
0x2d: {  	[dreg:$0x3] =	wrdreg s17  }
0x2e: {  	[dreg:$0x4] =	wrdreg $0x9  }
0x2f: {  	_ =	task.clear_ibuf [dreg:s7], $0x5FFFF;
	_ =	strace $0x90000049  }
0x30: {  	s29 =	simm.s32 $0x9;
	_ =	strace $0x8000004B  }
0x31: {  	_ =	swait.ge [sflag:s29], $0x1  }
0x32: {  	[sflag:s29] =	ssyncadd.s32 $0xFFFFFFFF  }
0x33: {  	_ =	strace $0x9000004B  }
0x34: {  	_ =	sfence  }
0x35: {  	s30 =	sld [smem:$0x0];
	_ =	sdelay $0x2  }
0x36: {  	s31 =	sshll.u32 s1, $0xD;
	s1 =	sshrl.u32 s1, $0x2  }
0x37: {  	s3 =	sand.u32 $0x4000, s31;
	s1 =	sadd.s32 s1, s30  }
0x38: {  	s0 =	sor.u32 s3, s0;
	s1 =	sshll.u32 s1, $0x11  }
0x39: {  	s0 =	sor.u32 s1, s0  }
0x3a: {  	s0 =	sadd.s32 $0x8F2B, s0  }
0x3b: {  	[sflag:s0] =	ssyncadd.remote.s32 $0x1  }
0x3c: {  	_ =	sfence.sel $0xFFFF  }
0x3d: {  	[dreg:$0x0] =	wrdreg $0xFFFFFFFF;
	(pc) =	sbr.abs _section_cstart, $3  }
0x3e: {  	[dreg:$0x1] =	wrdreg $0xFFFFFFFF  }
0x3f: {  	_ =	task.clear_ibuf [dreg:s7], $0x2FFFF;
	_ =	strace $0x9FFFFFFF  }
0x40: {  	(tm) =	ssettm $0x7FFFFFFF  }
0x41: {  	_ =	shalt  }
tec
execute0_lowered:
.L_overlay_start_1:
0x0: {  	(tag) =	ssettag $0x1  }
0x1: {  	s0 =	srdreg.scid  }
0x2: {  	s1 =	sshll.u32 s0, $0x4  }
0x3: {  	s0 =	stileid.u32;
	s1 =	sand.u32 $0x10, s1  }
0x4: {  	s1 =	sor.u32 s0, s1  }
0x5: {  	s6 =	rddreg [dreg:$0x0];
	s4 =	simm.s32 $0x1;
	s2 =	sshll.u32 s1, $0x7  }
0x6: {  	s7 =	simm.s32 $0x2;
	s12 =	simm.s32 $0x0;
	s1 =	ssub.s32 $0x1000, s2  }
0x7: {  	s8 =	simm.s32 $0x8000;
	s13 =	simm.s32 $0x0;
	s3 =	sand.u32 $0xF80, s1  }
0x8: {  	s9 =	simm.s32 $0x0;
	s5 =	sshrl.u32 s1, $0xC;
	p0 =	sne.s32 s3, $0x0  }
.Ltmp0:
0x9: {  	s1 =	rddreg [dreg:$0x2];
	s4 =	simm.s32 @!p0 $0x0;
	(pc) =	sbr.rel .LBB1_1-.Ltmp0, $4  }
0xa: {  	s11 =	simm.s32 $0x0;
	s3 =	rddreg [dreg:$0x1];
	s5 =	sadd.s32 s4, s5  }
0xb: {  	_ =	strace $0x8000004A;
	s4 =	simm.s32 $0x1;
	s5 =	smul.u32 $0xC8, s5  }
0xc: {  	s6 =	sadd.s32 $0xC00, s6;
	s10 =	smov.u32 s2;
	[sflag:s4] =	ssyncpa.u1 $0x0  }
0xd: {  	p0 =	por $0x0, $0x0;
	[sflag:s7] =	ssyncpa.u1 $0x0;
	s7 =	sor.u32 $0x1, s5  }
.LBB1_4:
0xe: {  	s16 =	sshll.u32 s13, $0x3;
	s17 =	sand.u32 $0x78, s13  }
0xf: {  	s30 =	sand.u32 $0x7E00, s13;
	s12 =	sshll.u32 s12, $0xF;
	s16 =	sand.u32 $0xC00, s16  }
0x10: {  	[tilespmem:s15+$0x810 ss:$0x81] =	vst.msk $0xffff, v2;
	s31 =	sand.u32 $0x7, s13;
	s16 =	sor.u32 s17, s16;
	s17 =	sadd.s32 s3, s30  }
0x11: {  	[tilespmem:s15+$0x1020 ss:$0x81] =	vst.msk $0xffff, v0;
	s13 =	sshll.u32 s31, $0x12;
	s12 =	sadd.s32 s12, s17;
	s16 =	sshrl.u32 s16, $0x3  }
0x12: {  	[tilespmem:s15+$0x0 ss:$0x81] =	vst.msk $0xffff, v1;
	s13 =	sor.u32 $0x400, s13;
	s12 =	sadd.s32 s16, s12  }
0x13: {  	[hbm4b:s12+s13] =	stream.strided.scatter [tilespmem:s14], [sflag:$0x2], $0x2000, s8, s13, $0x20;
	[tilespmem:$0x8080] =	vst v63  }
.LBB1_5:
0x14: {  	s14 =	sadd.s32 $0x1, s9  }
0x15: {  	s12 =	sadd.s32 $0x1000, s10;
	s16 =	smov.u32 s10;
	p2 =	sgt.s32 s14, $0xC7  }
0x16: {  	s16 =	smov.u32 @p2 s12  }
0x17: {  	s14 =	simm.s32 @p2 $0x0;
	p2 =	sgt.s32 s16, $0xFFF  }
0x18: {  	s16 =	smov.u32 @p2 s2;
	p2 =	sne.s32 s11, s7  }
.Ltmp1:
0x19: {  	p1 =	slt.u32 s11, $0x2;
	(pc) =	sbr.rel @!p2 .LBB1_6-.Ltmp1, $4  }
0x1a: {  	s15 =	simm.s32 @!p1 $0x2  }
0x1b: {  	s13 =	smov.u32 s10;
	p0 =	por !p0, !p0;
	_ =	swait.ge @!p1 [sflag:s15], $0x2000  }
0x1c: {  	s12 =	smov.u32 s9;
	[sflag:s15] =	ssyncset.done @!p1 $0x0;
	s9 =	smov.u32 s14  }
0x1d: {  	s11 =	sadd.s32 $0x1, s11;
	[sflag:s15] =	ssyncadd.s32 @!p1 $0xFFFFE000;
	s10 =	smov.u32 s16  }
.LBB1_1:
0x1e: {  	p1 =	sge.u32 s11, s5  }
0x1f: {  	s14 =	sand.u32 @!p1 $0x1FFFFFF, s9  }
0x20: {  	s15 =	smulhi.u32 @!p1 $0x147AE15, s14;
	_ =	sdelay $0x1  }
0x21: {  	s15 =	smul.u32 @!p1 $0xC8, s15  }
0x22: {  	s16 =	sxor.u32 @!p1 $0xFFFFFFFF, s11;
	s17 =	smul.u32 @!p1 $0xC80, s10  }
0x23: {  	s31 =	sadd.s32 $0xFFFFFFFF, s11;
	s16 =	sshll.u32 @!p1 s16, $0xD;
	s14 =	ssub.s32 @!p1 s14, s15  }
0x24: {  	s15 =	sand.u32 @!p1 $0x2000, s16;
	s16 =	sadd.s32 @!p1 s6, s17;
	s14 =	sshll.u32 @!p1 s14, $0x4  }
0x25: {  	s17 =	simm.s32 @!p1 $0x6400;
	s14 =	sadd.s32 @!p1 s14, s16;
	s16 =	simm.s32 @!p1 $0x40  }
0x26: {  	[tilespmem:s15], [sflag:$0x1] =	stream.strided.gather @!p1 [hbm4b:s14+s16], $0x2000, s17, s16, $0x38;
	[tilespmem:$0x8080] =	vst v63  }
0x27: {  	p1 =	sge.u32 s31, s5  }
.Ltmp2:
0x28: {  	_ = 	snop;
	(pc) =	sbr.rel @p1 .LBB1_5-.Ltmp2, $1  }
0x29: {  	_ =	sdelay $0x3  }
0x2a: {  	s14 =	simm.s32 $0x1  }
0x2b: {  	_ =	swait.ge [sflag:s4], $0x2000;
	s14 =	simm.s32 @!p0 $0x0  }
0x2c: {  	[sflag:s4] =	ssyncset.done $0x0;
	s15 =	sshll.u32 s14, $0xD  }
0x2d: {  	[sflag:s4] =	ssyncadd.s32 $0xFFFFE000;
	s18 =	sor.u32 $0x20, s15  }
0x2e: {  	s14 =	smul.u32 $0x8100, s14;
	v3 =	vld [tilespmem:s18+$0x10]  }
0x2f: {  	s30 =	sand.u32 $0x1, s11;
	v2 =	vld [tilespmem:s18+$0xFFFFFFF0]  }
0x30: {  	s15 =	smul.u32 $0x8100, s30;
	s14 =	sshrl.u32 s14, $0x2;
	v0 =	vld [tilespmem:s18+$0x0]  }
0x31: {  	v1 =	vld [tilespmem:s18+$0xFFFFFFE0];
	s16 =	sor.u32 $0x4000, s14  }
0x32: {  	s31 =	sshrl.u32 s15, $0x2;
	s15 =	sadd.s32 $0x0, s16  }
0x33: {  	s17 =	simm.s32 $0x4;
	s18 =	sadd.s32 $0x40, s18;
	s14 =	sor.u32 $0x4000, s31;
	[tilespmem:s15+$0x1830 ss:$0x81] =	vst.msk $0xffff, v3  }
.LBB1_3:
0x34: {  	v3 =	vld [tilespmem:s18+$0x10];
	p1 =	sne.s32 s17, $0x1FC;
	[tilespmem:s15+$0x810 ss:$0x81] =	vst.msk $0xffff, v2;
	s19 =	smov.u32 s17;
	s17 =	sadd.s32 $0x4, s17  }
.Ltmp3:
0x35: {  	v2 =	vld [tilespmem:s18+$0xFFFFFFF0];
	[tilespmem:s15+$0x1020 ss:$0x81] =	vst.msk $0xffff, v0;
	(pc) =	sbr.rel @p1 .LBB1_3-.Ltmp3, $4  }
0x36: {  	v0 =	vld [tilespmem:s18+$0x0];
	[tilespmem:s15+$0x0 ss:$0x81] =	vst.msk $0xffff, v1  }
0x37: {  	s15 =	sshra.s32 s19, $0x2;
	v1 =	vld [tilespmem:s18+$0xFFFFFFE0]  }
0x38: {  	s15 =	sadd.s32 s15, s16  }
0x39: {  	s18 =	sadd.s32 $0x40, s18;
	[tilespmem:s15+$0x1830 ss:$0x81] =	vst.msk $0xffff, v3  }
.Ltmp4:
0x3a: {  	_ = 	snop;
	(pc) =	sbr.rel .LBB1_4-.Ltmp4, $1  }
0x3b: {  	_ =	sdelay $0x3  }
.LBB1_6:
0x3c: {  	_ =	sfence.sel $0x180000  }
0x3d: {  	s2 =	simm.s32 $0x1;
	[bflag:$0x0] =	sbarrier.arrive $0xFFFF  }
0x3e: {  	s31 =	simm.s32 $0x2;
	[sflag:s2] =	ssyncpa.u1 $0x1  }
0x3f: {  	[sflag:s31] =	ssyncpa.u1 $0x1  }
0x40: {  	p0 =	sne.s32 s0, $0x0;
	_ =	strace $0x9000004A  }
0x41: {  	s0 =	sadd.s32 @!p0 $0x100000, s1;
	[bflag:$0x2] =	sbarrier.arrive $0xFFFF  }
0x42: {  	[sflag:s0] =	ssyncadd.tile.s32 @!p0 $0x1;
	_ =	shalt  }
.Lfunc_end1:
_tile_overlayer_lowered:
.L_overlay_start_2:
0x43: {  	(tag) =	ssettag $0x2  }
0x44: {  	s0 =	rddreg [dreg:$0x0];
	s2 =	stileid.u32  }
0x45: {  	s1 =	rddreg [dreg:$0x1];
	p0 =	sne.s32 s2, $0x0  }
0x46: {  	s3 =	rddreg [dreg:$0x2];
	[bflag:$0x3] =	sbarrier.arrive $0xFFFF;
	s2 =	simm.s32 @!p0 $0x1C01  }
0x47: {  	[timem:s3], [sflag:s2] =	dma.local @!p0 [hbm:s0], s1  }
0x48: {  	s0 =	simm.s32 @!p0 $0x1  }
0x49: {  	_ =	swait.ge @!p0 [sflag:s0], s1  }
0x4a: {  	s1 =	ssub.s32 @!p0 $0x0, s1;
	[sflag:s0] =	ssyncset.done @!p0 $0x0  }
0x4b: {  	[sflag:s0] =	ssyncadd.s32 @!p0 s1  }
0x4c: {  	[bflag:$0x3] =	sbarrier.arrive $0xFFFF  }
0x4d: {  	_ =	shalt  }

</sc_bundles>
